<compile_context>
chip_gen: v7x
topology: tpu7x:2x2x1
jax: 0.10.2.dev20260603
libtpu: 0.0.44.dev20260713+nightly
codegen_flags: <defaults>
</compile_context>

<pallas_src>
import functools

import jax
import jax.numpy as jnp
from jax import lax
from jax.experimental import pallas as pl
from jax.experimental.pallas import tpu as pltpu
from jax.experimental.pallas import tpu_sc as plsc

_NBUF = 6


def _gather_kernel(n_total, d_model, b_per_w, chunk, n_chunks):
    mesh = plsc.VectorSubcoreMesh(core_axis_name="c", subcore_axis_name="s")

    @functools.partial(
        pl.kernel,
        mesh=mesh,
        out_type=jax.ShapeDtypeStruct((n_total, d_model), jnp.float32),
        scratch_types=[
            pltpu.VMEM((n_chunks, chunk), jnp.int32),
            pltpu.VMEM((_NBUF, chunk, d_model), jnp.float32),
            pltpu.SemaphoreType.DMA((_NBUF,)),
            pltpu.SemaphoreType.DMA((_NBUF,)),
        ],
    )
    def k(table_hbm, idx_hbm, out_hbm, idx_v, rows_v, gsem, ssem):
        nc = plsc.get_sparse_core_info().num_cores
        wid = lax.axis_index("s") * nc + lax.axis_index("c")
        base = wid * b_per_w
        pltpu.sync_copy(idx_hbm.at[wid], idx_v)

        def gather(c, b):
            cp = pltpu.make_async_copy(
                table_hbm.at[idx_v.at[c]], rows_v.at[b], gsem.at[b]
            )
            cp.start()
            return cp

        def scatter(c, b):
            pltpu.make_async_copy(
                table_hbm.at[idx_v.at[c]], rows_v.at[b], gsem.at[b]
            ).wait()
            cp = pltpu.make_async_copy(
                rows_v.at[b],
                out_hbm.at[pl.ds(base + c * chunk, chunk)],
                ssem.at[b],
            )
            cp.start()
            return cp

        def wait_scatter(c, b):
            pltpu.make_async_copy(
                rows_v.at[b],
                out_hbm.at[pl.ds(base + c * chunk, chunk)],
                ssem.at[b],
            ).wait()

        for c in range(_NBUF):
            gather(c, c)
        scatter(0, 0)

        n_groups = (n_chunks - _NBUF) // _NBUF
        c_end = n_groups * _NBUF

        def body(j):
            c0 = 1 + j * _NBUF
            for u in range(_NBUF):
                c = c0 + u
                scatter(c, (1 + u) % _NBUF)
                wait_scatter(c - 1, u % _NBUF)
                gather(c + _NBUF - 1, u % _NBUF)

        pl.loop(0, n_groups)(body)

        for c in range(c_end + 1, n_chunks):
            scatter(c, c % _NBUF)
            wait_scatter(c - 1, (c - 1) % _NBUF)
            if c + _NBUF - 1 < n_chunks:
                gather(c + _NBUF - 1, (c - 1) % _NBUF)
        wait_scatter(n_chunks - 1, (n_chunks - 1) % _NBUF)

    return k


def kernel(x, pe):
    b, s = x.shape
    v, d = pe.shape
    n = b * s
    info = plsc.get_sparse_core_info()
    nw = info.num_cores * info.num_subcores
    b_per_w = n // nw
    chunk = 16
    n_chunks = b_per_w // chunk
    idx3 = x.astype(jnp.int32).reshape(nw, n_chunks, chunk)
    k = _gather_kernel(n, d, b_per_w, chunk, n_chunks)
    out = k(pe, idx3)
    return out.reshape(b, s, d)

# --- scband reference (transcript-rebuilt; emitter-appended) ---
"""Pipeline reference for scband-sinusoidal-positional-embedding-22514218566263 (READ-ONLY COPY).

The authoritative reference and input builder live on the scoring server;
editing this copy changes nothing except your own understanding.
"""

import math
import jax, jax.numpy as jnp
import numpy as np

VOCAB_SIZE = 8192
D_MODEL = 1024
BATCH = 4
SEQ_LEN = 8192

def _build_pe(vocab_size, d_model):
    pe = jnp.zeros((vocab_size, d_model), dtype=jnp.float32)
    position = jnp.arange(0, vocab_size, dtype=jnp.float32)[:, None]
    div_term = jnp.exp(jnp.arange(0, d_model, 2, dtype=jnp.float32) * (-math.log(10000.0) / d_model))
    pe = pe.at[:, 0::2].set(jnp.sin(position * div_term))
    if d_model > 1:
        pe = pe.at[:, 1::2].set(jnp.cos(position * div_term[: d_model // 2]))
    return pe

def setup_inputs(seed: int = 0) -> dict:
    key = jax.random.key(seed)
    k1, _ = jax.random.split(key)
    x = jax.random.randint(k1, (BATCH, SEQ_LEN), 0, VOCAB_SIZE, dtype=jnp.int64 if jax.config.jax_enable_x64 else jnp.int32)
    pe = _build_pe(VOCAB_SIZE, D_MODEL)
    return {"x": x, "pe": pe}

def reference(x, pe):
    # SinusoidalPositionalEmbedding.forward: gather rows of pe by position indices
    return jnp.take(pe, x, axis=0)

if __name__ == "__main__":
    import jax
    _d = setup_inputs()
    print(jax.jit(kernel)(*tuple(_d.values())))

</pallas_src>

<mosaic_0001>
#map = affine_map<(d0, d1) -> (0, 0)>
#map1 = affine_map<(d0, d1) -> (0, 0, 0)>
module attributes {stable_mosaic.version = 14 : i64} {
  func.func @k(%arg0: i32, %arg1: i32, %arg2: memref<8192x1024xf32, #tpu.memory_space<hbm>>, %arg3: memref<32x64x16xi32, #tpu.memory_space<hbm>>, %arg4: memref<32768x1024xf32, #tpu.memory_space<hbm>>, %arg5: memref<64x16xi32, #tpu.memory_space<vmem>>, %arg6: memref<6x16x1024xf32, #tpu.memory_space<vmem>>, %arg7: memref<6x!tpu.dma_semaphore, #tpu.memory_space<semaphore_mem>>, %arg8: memref<6x!tpu.dma_semaphore, #tpu.memory_space<semaphore_mem>>) attributes {dimension_semantics = [#tpu.dimension_semantics<core_parallel>, #tpu.dimension_semantics<subcore_parallel>], iteration_bounds = array<i64: 2, 16>, scalar_prefetch = 0 : i64, scratch_operands = 4 : i64, tpu.core_type = #tpu.core_type<sc_vector_subcore>, window_params = [{transform_indices = #map}, {transform_indices = #map1}, {transform_indices = #map}]} {
    %mul3A = arith.constant 2 : i32
    %mul3A_0 = arith.muli %arg1, %mul3A : i32
    %add3A = arith.addi %mul3A_0, %arg0 : i32
    %mul3A_1 = arith.constant 1024 : i32
    %mul3A_2 = arith.muli %add3A, %mul3A_1 : i32
    "tpu.region"() ({
      %run_scoped3A = tpu.sem_alloc : memref<!tpu.dma_semaphore, #tpu.memory_space<semaphore_mem>>
      %dma_start3A_665 = arith.constant 0 : i32
      %dma_start3A_666 = arith.constant 0 : i32
      %dma_start3A_667 = tpu.memref_slice %arg3[%add3A, %dma_start3A_665, %dma_start3A_666] : memref<32x64x16xi32, #tpu.memory_space<hbm>> -> memref<1x64x16xi32, #tpu.memory_space<hbm>>
      %dma_start3A_668 = tpu.memref_squeeze %dma_start3A_667 : memref<1x64x16xi32, #tpu.memory_space<hbm>> -> memref<64x16xi32, #tpu.memory_space<hbm>>
      %dma_start3A_669 = arith.constant 0 : i32
      %dma_start3A_670 = arith.constant 0 : i32
      %dma_start3A_671 = tpu.memref_slice %arg3[%add3A, %dma_start3A_669, %dma_start3A_670] : memref<32x64x16xi32, #tpu.memory_space<hbm>> -> memref<1x64x16xi32, #tpu.memory_space<hbm>>
      %dma_start3A_672 = tpu.memref_squeeze %dma_start3A_671 : memref<1x64x16xi32, #tpu.memory_space<hbm>> -> memref<64x16xi32, #tpu.memory_space<hbm>>
      tpu.enqueue_dma source(%dma_start3A_672 : memref<64x16xi32, #tpu.memory_space<hbm>>) target(%arg5 : memref<64x16xi32, #tpu.memory_space<vmem>>) target_semaphore(%run_scoped3A : memref<!tpu.dma_semaphore, #tpu.memory_space<semaphore_mem>>)
      %dma_wait3A_673 = arith.constant 0 : i32
      %dma_wait3A_674 = arith.constant 0 : i32
      %dma_wait3A_675 = tpu.memref_slice %arg3[%add3A, %dma_wait3A_673, %dma_wait3A_674] : memref<32x64x16xi32, #tpu.memory_space<hbm>> -> memref<1x64x16xi32, #tpu.memory_space<hbm>>
      %dma_wait3A_676 = tpu.memref_squeeze %dma_wait3A_675 : memref<1x64x16xi32, #tpu.memory_space<hbm>> -> memref<64x16xi32, #tpu.memory_space<hbm>>
      %dma_wait3A_677 = arith.constant 0 : i32
      %dma_wait3A_678 = arith.constant 0 : i32
      %dma_wait3A_679 = tpu.memref_slice %arg3[%add3A, %dma_wait3A_677, %dma_wait3A_678] : memref<32x64x16xi32, #tpu.memory_space<hbm>> -> memref<1x64x16xi32, #tpu.memory_space<hbm>>
      %dma_wait3A_680 = tpu.memref_squeeze %dma_wait3A_679 : memref<1x64x16xi32, #tpu.memory_space<hbm>> -> memref<64x16xi32, #tpu.memory_space<hbm>>
      tpu.wait_dma2 semaphore(%run_scoped3A : memref<!tpu.dma_semaphore, #tpu.memory_space<semaphore_mem>>) src(%dma_wait3A_680 : memref<64x16xi32, #tpu.memory_space<hbm>>) dst(%arg5 : memref<64x16xi32, #tpu.memory_space<vmem>>)
      tpu.yield
    }) : () -> ()
    %dma_start3A = arith.constant 0 : i32
    %dma_start3A_3 = arith.constant 0 : i32
    %dma_start3A_4 = arith.constant 0 : i32
    %dma_start3A_5 = arith.constant 0 : i32
    %dma_start3A_6 = arith.constant 0 : i32
    %dma_start3A_7 = tpu.memref_slice %arg6[%dma_start3A_3, %dma_start3A_5, %dma_start3A_6] : memref<6x16x1024xf32, #tpu.memory_space<vmem>> -> memref<1x16x1024xf32, #tpu.memory_space<vmem>>
    %dma_start3A_8 = tpu.memref_squeeze %dma_start3A_7 : memref<1x16x1024xf32, #tpu.memory_space<vmem>> -> memref<16x1024xf32, #tpu.memory_space<vmem>>
    %dma_start3A_9 = arith.constant 0 : i32
    %dma_start3A_10 = tpu.memref_slice %arg5[%dma_start3A, %dma_start3A_9] : memref<64x16xi32, #tpu.memory_space<vmem>> -> memref<1x16xi32, #tpu.memory_space<vmem>>
    %dma_start3A_11 = tpu.memref_squeeze %dma_start3A_10 : memref<1x16xi32, #tpu.memory_space<vmem>> -> memref<16xi32, #tpu.memory_space<vmem>>
    %dma_start3A_12 = arith.constant 0 : i32
    %dma_start3A_13 = arith.constant 0 : i32
    %dma_start3A_14 = tpu.memref_slice %arg2[%dma_start3A_12, %dma_start3A_13] : memref<8192x1024xf32, #tpu.memory_space<hbm>> -> memref<8192x1024xf32, #tpu.memory_space<hbm>>
    %dma_start3A_15 = tpu.memref_slice %arg7[%dma_start3A_4] : memref<6x!tpu.dma_semaphore, #tpu.memory_space<semaphore_mem>> -> memref<1x!tpu.dma_semaphore, #tpu.memory_space<semaphore_mem>>
    %dma_start3A_16 = tpu.memref_squeeze %dma_start3A_15 : memref<1x!tpu.dma_semaphore, #tpu.memory_space<semaphore_mem>> -> memref<!tpu.dma_semaphore, #tpu.memory_space<semaphore_mem>>
    tpu.enqueue_indirect_dma source(%dma_start3A_14 : memref<8192x1024xf32, #tpu.memory_space<hbm>>) target(%dma_start3A_8 : memref<16x1024xf32, #tpu.memory_space<vmem>>) offsets(%dma_start3A_11 : memref<16xi32, #tpu.memory_space<vmem>>) semaphore(%dma_start3A_16 : memref<!tpu.dma_semaphore, #tpu.memory_space<semaphore_mem>>)
    %dma_start3A_17 = arith.constant 1 : i32
    %dma_start3A_18 = arith.constant 1 : i32
    %dma_start3A_19 = arith.constant 1 : i32
    %dma_start3A_20 = arith.constant 0 : i32
    %dma_start3A_21 = arith.constant 0 : i32
    %dma_start3A_22 = tpu.memref_slice %arg6[%dma_start3A_18, %dma_start3A_20, %dma_start3A_21] : memref<6x16x1024xf32, #tpu.memory_space<vmem>> -> memref<1x16x1024xf32, #tpu.memory_space<vmem>>
    %dma_start3A_23 = tpu.memref_squeeze %dma_start3A_22 : memref<1x16x1024xf32, #tpu.memory_space<vmem>> -> memref<16x1024xf32, #tpu.memory_space<vmem>>
    %dma_start3A_24 = arith.constant 0 : i32
    %dma_start3A_25 = tpu.memref_slice %arg5[%dma_start3A_17, %dma_start3A_24] : memref<64x16xi32, #tpu.memory_space<vmem>> -> memref<1x16xi32, #tpu.memory_space<vmem>>
    %dma_start3A_26 = tpu.memref_squeeze %dma_start3A_25 : memref<1x16xi32, #tpu.memory_space<vmem>> -> memref<16xi32, #tpu.memory_space<vmem>>
    %dma_start3A_27 = arith.constant 0 : i32
    %dma_start3A_28 = arith.constant 0 : i32
    %dma_start3A_29 = tpu.memref_slice %arg2[%dma_start3A_27, %dma_start3A_28] : memref<8192x1024xf32, #tpu.memory_space<hbm>> -> memref<8192x1024xf32, #tpu.memory_space<hbm>>
    %dma_start3A_30 = tpu.memref_slice %arg7[%dma_start3A_19] : memref<6x!tpu.dma_semaphore, #tpu.memory_space<semaphore_mem>> -> memref<1x!tpu.dma_semaphore, #tpu.memory_space<semaphore_mem>>
    %dma_start3A_31 = tpu.memref_squeeze %dma_start3A_30 : memref<1x!tpu.dma_semaphore, #tpu.memory_space<semaphore_mem>> -> memref<!tpu.dma_semaphore, #tpu.memory_space<semaphore_mem>>
    tpu.enqueue_indirect_dma source(%dma_start3A_29 : memref<8192x1024xf32, #tpu.memory_space<hbm>>) target(%dma_start3A_23 : memref<16x1024xf32, #tpu.memory_space<vmem>>) offsets(%dma_start3A_26 : memref<16xi32, #tpu.memory_space<vmem>>) semaphore(%dma_start3A_31 : memref<!tpu.dma_semaphore, #tpu.memory_space<semaphore_mem>>)
    %dma_start3A_32 = arith.constant 2 : i32
    %dma_start3A_33 = arith.constant 2 : i32
    %dma_start3A_34 = arith.constant 2 : i32
    %dma_start3A_35 = arith.constant 0 : i32
    %dma_start3A_36 = arith.constant 0 : i32
    %dma_start3A_37 = tpu.memref_slice %arg6[%dma_start3A_33, %dma_start3A_35, %dma_start3A_36] : memref<6x16x1024xf32, #tpu.memory_space<vmem>> -> memref<1x16x1024xf32, #tpu.memory_space<vmem>>
    %dma_start3A_38 = tpu.memref_squeeze %dma_start3A_37 : memref<1x16x1024xf32, #tpu.memory_space<vmem>> -> memref<16x1024xf32, #tpu.memory_space<vmem>>
    %dma_start3A_39 = arith.constant 0 : i32
    %dma_start3A_40 = tpu.memref_slice %arg5[%dma_start3A_32, %dma_start3A_39] : memref<64x16xi32, #tpu.memory_space<vmem>> -> memref<1x16xi32, #tpu.memory_space<vmem>>
    %dma_start3A_41 = tpu.memref_squeeze %dma_start3A_40 : memref<1x16xi32, #tpu.memory_space<vmem>> -> memref<16xi32, #tpu.memory_space<vmem>>
    %dma_start3A_42 = arith.constant 0 : i32
    %dma_start3A_43 = arith.constant 0 : i32
    %dma_start3A_44 = tpu.memref_slice %arg2[%dma_start3A_42, %dma_start3A_43] : memref<8192x1024xf32, #tpu.memory_space<hbm>> -> memref<8192x1024xf32, #tpu.memory_space<hbm>>
    %dma_start3A_45 = tpu.memref_slice %arg7[%dma_start3A_34] : memref<6x!tpu.dma_semaphore, #tpu.memory_space<semaphore_mem>> -> memref<1x!tpu.dma_semaphore, #tpu.memory_space<semaphore_mem>>
    %dma_start3A_46 = tpu.memref_squeeze %dma_start3A_45 : memref<1x!tpu.dma_semaphore, #tpu.memory_space<semaphore_mem>> -> memref<!tpu.dma_semaphore, #tpu.memory_space<semaphore_mem>>
    tpu.enqueue_indirect_dma source(%dma_start3A_44 : memref<8192x1024xf32, #tpu.memory_space<hbm>>) target(%dma_start3A_38 : memref<16x1024xf32, #tpu.memory_space<vmem>>) offsets(%dma_start3A_41 : memref<16xi32, #tpu.memory_space<vmem>>) semaphore(%dma_start3A_46 : memref<!tpu.dma_semaphore, #tpu.memory_space<semaphore_mem>>)
    %dma_start3A_47 = arith.constant 3 : i32
    %dma_start3A_48 = arith.constant 3 : i32
    %dma_start3A_49 = arith.constant 3 : i32
    %dma_start3A_50 = arith.constant 0 : i32
    %dma_start3A_51 = arith.constant 0 : i32
    %dma_start3A_52 = tpu.memref_slice %arg6[%dma_start3A_48, %dma_start3A_50, %dma_start3A_51] : memref<6x16x1024xf32, #tpu.memory_space<vmem>> -> memref<1x16x1024xf32, #tpu.memory_space<vmem>>
    %dma_start3A_53 = tpu.memref_squeeze %dma_start3A_52 : memref<1x16x1024xf32, #tpu.memory_space<vmem>> -> memref<16x1024xf32, #tpu.memory_space<vmem>>
    %dma_start3A_54 = arith.constant 0 : i32
    %dma_start3A_55 = tpu.memref_slice %arg5[%dma_start3A_47, %dma_start3A_54] : memref<64x16xi32, #tpu.memory_space<vmem>> -> memref<1x16xi32, #tpu.memory_space<vmem>>
    %dma_start3A_56 = tpu.memref_squeeze %dma_start3A_55 : memref<1x16xi32, #tpu.memory_space<vmem>> -> memref<16xi32, #tpu.memory_space<vmem>>
    %dma_start3A_57 = arith.constant 0 : i32
    %dma_start3A_58 = arith.constant 0 : i32
    %dma_start3A_59 = tpu.memref_slice %arg2[%dma_start3A_57, %dma_start3A_58] : memref<8192x1024xf32, #tpu.memory_space<hbm>> -> memref<8192x1024xf32, #tpu.memory_space<hbm>>
    %dma_start3A_60 = tpu.memref_slice %arg7[%dma_start3A_49] : memref<6x!tpu.dma_semaphore, #tpu.memory_space<semaphore_mem>> -> memref<1x!tpu.dma_semaphore, #tpu.memory_space<semaphore_mem>>
    %dma_start3A_61 = tpu.memref_squeeze %dma_start3A_60 : memref<1x!tpu.dma_semaphore, #tpu.memory_space<semaphore_mem>> -> memref<!tpu.dma_semaphore, #tpu.memory_space<semaphore_mem>>
    tpu.enqueue_indirect_dma source(%dma_start3A_59 : memref<8192x1024xf32, #tpu.memory_space<hbm>>) target(%dma_start3A_53 : memref<16x1024xf32, #tpu.memory_space<vmem>>) offsets(%dma_start3A_56 : memref<16xi32, #tpu.memory_space<vmem>>) semaphore(%dma_start3A_61 : memref<!tpu.dma_semaphore, #tpu.memory_space<semaphore_mem>>)
    %dma_start3A_62 = arith.constant 4 : i32
    %dma_start3A_63 = arith.constant 4 : i32
    %dma_start3A_64 = arith.constant 4 : i32
    %dma_start3A_65 = arith.constant 0 : i32
    %dma_start3A_66 = arith.constant 0 : i32
    %dma_start3A_67 = tpu.memref_slice %arg6[%dma_start3A_63, %dma_start3A_65, %dma_start3A_66] : memref<6x16x1024xf32, #tpu.memory_space<vmem>> -> memref<1x16x1024xf32, #tpu.memory_space<vmem>>
    %dma_start3A_68 = tpu.memref_squeeze %dma_start3A_67 : memref<1x16x1024xf32, #tpu.memory_space<vmem>> -> memref<16x1024xf32, #tpu.memory_space<vmem>>
    %dma_start3A_69 = arith.constant 0 : i32
    %dma_start3A_70 = tpu.memref_slice %arg5[%dma_start3A_62, %dma_start3A_69] : memref<64x16xi32, #tpu.memory_space<vmem>> -> memref<1x16xi32, #tpu.memory_space<vmem>>
    %dma_start3A_71 = tpu.memref_squeeze %dma_start3A_70 : memref<1x16xi32, #tpu.memory_space<vmem>> -> memref<16xi32, #tpu.memory_space<vmem>>
    %dma_start3A_72 = arith.constant 0 : i32
    %dma_start3A_73 = arith.constant 0 : i32
    %dma_start3A_74 = tpu.memref_slice %arg2[%dma_start3A_72, %dma_start3A_73] : memref<8192x1024xf32, #tpu.memory_space<hbm>> -> memref<8192x1024xf32, #tpu.memory_space<hbm>>
    %dma_start3A_75 = tpu.memref_slice %arg7[%dma_start3A_64] : memref<6x!tpu.dma_semaphore, #tpu.memory_space<semaphore_mem>> -> memref<1x!tpu.dma_semaphore, #tpu.memory_space<semaphore_mem>>
    %dma_start3A_76 = tpu.memref_squeeze %dma_start3A_75 : memref<1x!tpu.dma_semaphore, #tpu.memory_space<semaphore_mem>> -> memref<!tpu.dma_semaphore, #tpu.memory_space<semaphore_mem>>
    tpu.enqueue_indirect_dma source(%dma_start3A_74 : memref<8192x1024xf32, #tpu.memory_space<hbm>>) target(%dma_start3A_68 : memref<16x1024xf32, #tpu.memory_space<vmem>>) offsets(%dma_start3A_71 : memref<16xi32, #tpu.memory_space<vmem>>) semaphore(%dma_start3A_76 : memref<!tpu.dma_semaphore, #tpu.memory_space<semaphore_mem>>)
    %dma_start3A_77 = arith.constant 5 : i32
    %dma_start3A_78 = arith.constant 5 : i32
    %dma_start3A_79 = arith.constant 5 : i32
    %dma_start3A_80 = arith.constant 0 : i32
    %dma_start3A_81 = arith.constant 0 : i32
    %dma_start3A_82 = tpu.memref_slice %arg6[%dma_start3A_78, %dma_start3A_80, %dma_start3A_81] : memref<6x16x1024xf32, #tpu.memory_space<vmem>> -> memref<1x16x1024xf32, #tpu.memory_space<vmem>>
    %dma_start3A_83 = tpu.memref_squeeze %dma_start3A_82 : memref<1x16x1024xf32, #tpu.memory_space<vmem>> -> memref<16x1024xf32, #tpu.memory_space<vmem>>
    %dma_start3A_84 = arith.constant 0 : i32
    %dma_start3A_85 = tpu.memref_slice %arg5[%dma_start3A_77, %dma_start3A_84] : memref<64x16xi32, #tpu.memory_space<vmem>> -> memref<1x16xi32, #tpu.memory_space<vmem>>
    %dma_start3A_86 = tpu.memref_squeeze %dma_start3A_85 : memref<1x16xi32, #tpu.memory_space<vmem>> -> memref<16xi32, #tpu.memory_space<vmem>>
    %dma_start3A_87 = arith.constant 0 : i32
    %dma_start3A_88 = arith.constant 0 : i32
    %dma_start3A_89 = tpu.memref_slice %arg2[%dma_start3A_87, %dma_start3A_88] : memref<8192x1024xf32, #tpu.memory_space<hbm>> -> memref<8192x1024xf32, #tpu.memory_space<hbm>>
    %dma_start3A_90 = tpu.memref_slice %arg7[%dma_start3A_79] : memref<6x!tpu.dma_semaphore, #tpu.memory_space<semaphore_mem>> -> memref<1x!tpu.dma_semaphore, #tpu.memory_space<semaphore_mem>>
    %dma_start3A_91 = tpu.memref_squeeze %dma_start3A_90 : memref<1x!tpu.dma_semaphore, #tpu.memory_space<semaphore_mem>> -> memref<!tpu.dma_semaphore, #tpu.memory_space<semaphore_mem>>
    tpu.enqueue_indirect_dma source(%dma_start3A_89 : memref<8192x1024xf32, #tpu.memory_space<hbm>>) target(%dma_start3A_83 : memref<16x1024xf32, #tpu.memory_space<vmem>>) offsets(%dma_start3A_86 : memref<16xi32, #tpu.memory_space<vmem>>) semaphore(%dma_start3A_91 : memref<!tpu.dma_semaphore, #tpu.memory_space<semaphore_mem>>)
    %dma_wait3A = arith.constant 0 : i32
    %dma_wait3A_92 = arith.constant 0 : i32
    %dma_wait3A_93 = arith.constant 0 : i32
    %dma_wait3A_94 = arith.constant 0 : i32
    %dma_wait3A_95 = arith.constant 0 : i32
    %dma_wait3A_96 = tpu.memref_slice %arg6[%dma_wait3A_92, %dma_wait3A_94, %dma_wait3A_95] : memref<6x16x1024xf32, #tpu.memory_space<vmem>> -> memref<1x16x1024xf32, #tpu.memory_space<vmem>>
    %dma_wait3A_97 = tpu.memref_squeeze %dma_wait3A_96 : memref<1x16x1024xf32, #tpu.memory_space<vmem>> -> memref<16x1024xf32, #tpu.memory_space<vmem>>
    %dma_wait3A_98 = arith.constant 0 : i32
    %dma_wait3A_99 = tpu.memref_slice %arg5[%dma_wait3A, %dma_wait3A_98] : memref<64x16xi32, #tpu.memory_space<vmem>> -> memref<1x16xi32, #tpu.memory_space<vmem>>
    %dma_wait3A_100 = tpu.memref_squeeze %dma_wait3A_99 : memref<1x16xi32, #tpu.memory_space<vmem>> -> memref<16xi32, #tpu.memory_space<vmem>>
    %dma_wait3A_101 = arith.constant 0 : i32
    %dma_wait3A_102 = arith.constant 0 : i32
    %dma_wait3A_103 = tpu.memref_slice %arg2[%dma_wait3A_101, %dma_wait3A_102] : memref<8192x1024xf32, #tpu.memory_space<hbm>> -> memref<8192x1024xf32, #tpu.memory_space<hbm>>
    %dma_wait3A_104 = tpu.memref_slice %arg7[%dma_wait3A_93] : memref<6x!tpu.dma_semaphore, #tpu.memory_space<semaphore_mem>> -> memref<1x!tpu.dma_semaphore, #tpu.memory_space<semaphore_mem>>
    %dma_wait3A_105 = tpu.memref_squeeze %dma_wait3A_104 : memref<1x!tpu.dma_semaphore, #tpu.memory_space<semaphore_mem>> -> memref<!tpu.dma_semaphore, #tpu.memory_space<semaphore_mem>>
    tpu.wait_indirect_dma semaphore(%dma_wait3A_105 : memref<!tpu.dma_semaphore, #tpu.memory_space<semaphore_mem>>) src(%dma_wait3A_103 : memref<8192x1024xf32, #tpu.memory_space<hbm>>) dst(%dma_wait3A_97 : memref<16x1024xf32, #tpu.memory_space<vmem>>)
    %add3A_106 = arith.constant 0 : i32
    %add3A_107 = arith.addi %mul3A_2, %add3A_106 : i32
    %dma_start3A_108 = arith.constant 0 : i32
    %dma_start3A_109 = arith.constant 0 : i32
    %dma_start3A_110 = arith.constant 0 : i32
    %dma_start3A_111 = arith.constant 0 : i32
    %dma_start3A_112 = tpu.memref_slice %arg6[%dma_start3A_108, %dma_start3A_110, %dma_start3A_111] : memref<6x16x1024xf32, #tpu.memory_space<vmem>> -> memref<1x16x1024xf32, #tpu.memory_space<vmem>>
    %dma_start3A_113 = tpu.memref_squeeze %dma_start3A_112 : memref<1x16x1024xf32, #tpu.memory_space<vmem>> -> memref<16x1024xf32, #tpu.memory_space<vmem>>
    %dma_start3A_114 = arith.constant 0 : i32
    %dma_start3A_115 = tpu.memref_slice %arg4[%add3A_107, %dma_start3A_114] : memref<32768x1024xf32, #tpu.memory_space<hbm>> -> memref<16x1024xf32, #tpu.memory_space<hbm>>
    %dma_start3A_116 = tpu.memref_slice %arg8[%dma_start3A_109] : memref<6x!tpu.dma_semaphore, #tpu.memory_space<semaphore_mem>> -> memref<1x!tpu.dma_semaphore, #tpu.memory_space<semaphore_mem>>
    %dma_start3A_117 = tpu.memref_squeeze %dma_start3A_116 : memref<1x!tpu.dma_semaphore, #tpu.memory_space<semaphore_mem>> -> memref<!tpu.dma_semaphore, #tpu.memory_space<semaphore_mem>>
    %dma_start3A_118 = arith.constant 0 : i32
    %dma_start3A_119 = tpu.memref_slice %arg4[%add3A_107, %dma_start3A_118] : memref<32768x1024xf32, #tpu.memory_space<hbm>> -> memref<16x1024xf32, #tpu.memory_space<hbm>>
    %dma_start3A_120 = arith.constant 0 : i32
    %dma_start3A_121 = arith.constant 0 : i32
    %dma_start3A_122 = tpu.memref_slice %arg6[%dma_start3A_108, %dma_start3A_120, %dma_start3A_121] : memref<6x16x1024xf32, #tpu.memory_space<vmem>> -> memref<1x16x1024xf32, #tpu.memory_space<vmem>>
    %dma_start3A_123 = tpu.memref_squeeze %dma_start3A_122 : memref<1x16x1024xf32, #tpu.memory_space<vmem>> -> memref<16x1024xf32, #tpu.memory_space<vmem>>
    tpu.enqueue_dma source(%dma_start3A_123 : memref<16x1024xf32, #tpu.memory_space<vmem>>) target(%dma_start3A_119 : memref<16x1024xf32, #tpu.memory_space<hbm>>) target_semaphore(%dma_start3A_117 : memref<!tpu.dma_semaphore, #tpu.memory_space<semaphore_mem>>)
    %scan3A = arith.constant 0 : i32
    %scan3A_124 = arith.constant 9 : i32
    %scan3A_125 = arith.addi %scan3A, %scan3A_124 : i32
    %scan3A_126 = arith.constant 1 : i32
    scf.for %scan3A_665 = %scan3A to %scan3A_125 step %scan3A_126  : i32 {
      %mul3A_666 = arith.constant 1 : i32
      %mul3A_667 = arith.muli %scan3A_665, %mul3A_666 : i32
      %add3A_668 = arith.constant 0 : i32
      %add3A_669 = arith.addi %add3A_668, %mul3A_667 : i32
      %mul3A_670 = arith.constant 6 : i32
      %mul3A_671 = arith.muli %add3A_669, %mul3A_670 : i32
      %add3A_672 = arith.constant 1 : i32
      %add3A_673 = arith.addi %add3A_672, %mul3A_671 : i32
      %add3A_674 = arith.constant 0 : i32
      %add3A_675 = arith.addi %add3A_673, %add3A_674 : i32
      %dma_wait3A_676 = arith.constant 1 : i32
      %dma_wait3A_677 = arith.constant 1 : i32
      %dma_wait3A_678 = arith.constant 0 : i32
      %dma_wait3A_679 = arith.constant 0 : i32
      %dma_wait3A_680 = tpu.memref_slice %arg6[%dma_wait3A_676, %dma_wait3A_678, %dma_wait3A_679] : memref<6x16x1024xf32, #tpu.memory_space<vmem>> -> memref<1x16x1024xf32, #tpu.memory_space<vmem>>
      %dma_wait3A_681 = tpu.memref_squeeze %dma_wait3A_680 : memref<1x16x1024xf32, #tpu.memory_space<vmem>> -> memref<16x1024xf32, #tpu.memory_space<vmem>>
      %dma_wait3A_682 = arith.constant 0 : i32
      %dma_wait3A_683 = tpu.memref_slice %arg5[%add3A_675, %dma_wait3A_682] : memref<64x16xi32, #tpu.memory_space<vmem>> -> memref<1x16xi32, #tpu.memory_space<vmem>>
      %dma_wait3A_684 = tpu.memref_squeeze %dma_wait3A_683 : memref<1x16xi32, #tpu.memory_space<vmem>> -> memref<16xi32, #tpu.memory_space<vmem>>
      %dma_wait3A_685 = arith.constant 0 : i32
      %dma_wait3A_686 = arith.constant 0 : i32
      %dma_wait3A_687 = tpu.memref_slice %arg2[%dma_wait3A_685, %dma_wait3A_686] : memref<8192x1024xf32, #tpu.memory_space<hbm>> -> memref<8192x1024xf32, #tpu.memory_space<hbm>>
      %dma_wait3A_688 = tpu.memref_slice %arg7[%dma_wait3A_677] : memref<6x!tpu.dma_semaphore, #tpu.memory_space<semaphore_mem>> -> memref<1x!tpu.dma_semaphore, #tpu.memory_space<semaphore_mem>>
      %dma_wait3A_689 = tpu.memref_squeeze %dma_wait3A_688 : memref<1x!tpu.dma_semaphore, #tpu.memory_space<semaphore_mem>> -> memref<!tpu.dma_semaphore, #tpu.memory_space<semaphore_mem>>
      tpu.wait_indirect_dma semaphore(%dma_wait3A_689 : memref<!tpu.dma_semaphore, #tpu.memory_space<semaphore_mem>>) src(%dma_wait3A_687 : memref<8192x1024xf32, #tpu.memory_space<hbm>>) dst(%dma_wait3A_681 : memref<16x1024xf32, #tpu.memory_space<vmem>>)
      %mul3A_690 = arith.constant 16 : i32
      %mul3A_691 = arith.muli %add3A_675, %mul3A_690 : i32
      %add3A_692 = arith.addi %mul3A_2, %mul3A_691 : i32
      %dma_start3A_693 = arith.constant 1 : i32
      %dma_start3A_694 = arith.constant 1 : i32
      %dma_start3A_695 = arith.constant 0 : i32
      %dma_start3A_696 = arith.constant 0 : i32
      %dma_start3A_697 = tpu.memref_slice %arg6[%dma_start3A_693, %dma_start3A_695, %dma_start3A_696] : memref<6x16x1024xf32, #tpu.memory_space<vmem>> -> memref<1x16x1024xf32, #tpu.memory_space<vmem>>
      %dma_start3A_698 = tpu.memref_squeeze %dma_start3A_697 : memref<1x16x1024xf32, #tpu.memory_space<vmem>> -> memref<16x1024xf32, #tpu.memory_space<vmem>>
      %dma_start3A_699 = arith.constant 0 : i32
      %dma_start3A_700 = tpu.memref_slice %arg4[%add3A_692, %dma_start3A_699] : memref<32768x1024xf32, #tpu.memory_space<hbm>> -> memref<16x1024xf32, #tpu.memory_space<hbm>>
      %dma_start3A_701 = tpu.memref_slice %arg8[%dma_start3A_694] : memref<6x!tpu.dma_semaphore, #tpu.memory_space<semaphore_mem>> -> memref<1x!tpu.dma_semaphore, #tpu.memory_space<semaphore_mem>>
      %dma_start3A_702 = tpu.memref_squeeze %dma_start3A_701 : memref<1x!tpu.dma_semaphore, #tpu.memory_space<semaphore_mem>> -> memref<!tpu.dma_semaphore, #tpu.memory_space<semaphore_mem>>
      %dma_start3A_703 = arith.constant 0 : i32
      %dma_start3A_704 = tpu.memref_slice %arg4[%add3A_692, %dma_start3A_703] : memref<32768x1024xf32, #tpu.memory_space<hbm>> -> memref<16x1024xf32, #tpu.memory_space<hbm>>
      %dma_start3A_705 = arith.constant 0 : i32
      %dma_start3A_706 = arith.constant 0 : i32
      %dma_start3A_707 = tpu.memref_slice %arg6[%dma_start3A_693, %dma_start3A_705, %dma_start3A_706] : memref<6x16x1024xf32, #tpu.memory_space<vmem>> -> memref<1x16x1024xf32, #tpu.memory_space<vmem>>
      %dma_start3A_708 = tpu.memref_squeeze %dma_start3A_707 : memref<1x16x1024xf32, #tpu.memory_space<vmem>> -> memref<16x1024xf32, #tpu.memory_space<vmem>>
      tpu.enqueue_dma source(%dma_start3A_708 : memref<16x1024xf32, #tpu.memory_space<vmem>>) target(%dma_start3A_704 : memref<16x1024xf32, #tpu.memory_space<hbm>>) target_semaphore(%dma_start3A_702 : memref<!tpu.dma_semaphore, #tpu.memory_space<semaphore_mem>>)
      %sub3A = arith.constant 1 : i32
      %sub3A_709 = arith.subi %add3A_675, %sub3A : i32
      %mul3A_710 = arith.constant 16 : i32
      %mul3A_711 = arith.muli %sub3A_709, %mul3A_710 : i32
      %add3A_712 = arith.addi %mul3A_2, %mul3A_711 : i32
      %dma_wait3A_713 = arith.constant 0 : i32
      %dma_wait3A_714 = arith.constant 0 : i32
      %dma_wait3A_715 = arith.constant 0 : i32
      %dma_wait3A_716 = arith.constant 0 : i32
      %dma_wait3A_717 = tpu.memref_slice %arg6[%dma_wait3A_713, %dma_wait3A_715, %dma_wait3A_716] : memref<6x16x1024xf32, #tpu.memory_space<vmem>> -> memref<1x16x1024xf32, #tpu.memory_space<vmem>>
      %dma_wait3A_718 = tpu.memref_squeeze %dma_wait3A_717 : memref<1x16x1024xf32, #tpu.memory_space<vmem>> -> memref<16x1024xf32, #tpu.memory_space<vmem>>
      %dma_wait3A_719 = arith.constant 0 : i32
      %dma_wait3A_720 = tpu.memref_slice %arg4[%add3A_712, %dma_wait3A_719] : memref<32768x1024xf32, #tpu.memory_space<hbm>> -> memref<16x1024xf32, #tpu.memory_space<hbm>>
      %dma_wait3A_721 = tpu.memref_slice %arg8[%dma_wait3A_714] : memref<6x!tpu.dma_semaphore, #tpu.memory_space<semaphore_mem>> -> memref<1x!tpu.dma_semaphore, #tpu.memory_space<semaphore_mem>>
      %dma_wait3A_722 = tpu.memref_squeeze %dma_wait3A_721 : memref<1x!tpu.dma_semaphore, #tpu.memory_space<semaphore_mem>> -> memref<!tpu.dma_semaphore, #tpu.memory_space<semaphore_mem>>
      %dma_wait3A_723 = arith.constant 0 : i32
      %dma_wait3A_724 = tpu.memref_slice %arg4[%add3A_712, %dma_wait3A_723] : memref<32768x1024xf32, #tpu.memory_space<hbm>> -> memref<16x1024xf32, #tpu.memory_space<hbm>>
      %dma_wait3A_725 = arith.constant 0 : i32
      %dma_wait3A_726 = arith.constant 0 : i32
      %dma_wait3A_727 = tpu.memref_slice %arg6[%dma_wait3A_713, %dma_wait3A_725, %dma_wait3A_726] : memref<6x16x1024xf32, #tpu.memory_space<vmem>> -> memref<1x16x1024xf32, #tpu.memory_space<vmem>>
      %dma_wait3A_728 = tpu.memref_squeeze %dma_wait3A_727 : memref<1x16x1024xf32, #tpu.memory_space<vmem>> -> memref<16x1024xf32, #tpu.memory_space<vmem>>
      tpu.wait_dma2 semaphore(%dma_wait3A_722 : memref<!tpu.dma_semaphore, #tpu.memory_space<semaphore_mem>>) src(%dma_wait3A_728 : memref<16x1024xf32, #tpu.memory_space<vmem>>) dst(%dma_wait3A_724 : memref<16x1024xf32, #tpu.memory_space<hbm>>)
      %add3A_729 = arith.constant 6 : i32
      %add3A_730 = arith.addi %add3A_675, %add3A_729 : i32
      %sub3A_731 = arith.constant 1 : i32
      %sub3A_732 = arith.subi %add3A_730, %sub3A_731 : i32
      %dma_start3A_733 = arith.constant 0 : i32
      %dma_start3A_734 = arith.constant 0 : i32
      %dma_start3A_735 = arith.constant 0 : i32
      %dma_start3A_736 = arith.constant 0 : i32
      %dma_start3A_737 = tpu.memref_slice %arg6[%dma_start3A_733, %dma_start3A_735, %dma_start3A_736] : memref<6x16x1024xf32, #tpu.memory_space<vmem>> -> memref<1x16x1024xf32, #tpu.memory_space<vmem>>
      %dma_start3A_738 = tpu.memref_squeeze %dma_start3A_737 : memref<1x16x1024xf32, #tpu.memory_space<vmem>> -> memref<16x1024xf32, #tpu.memory_space<vmem>>
      %dma_start3A_739 = arith.constant 0 : i32
      %dma_start3A_740 = tpu.memref_slice %arg5[%sub3A_732, %dma_start3A_739] : memref<64x16xi32, #tpu.memory_space<vmem>> -> memref<1x16xi32, #tpu.memory_space<vmem>>
      %dma_start3A_741 = tpu.memref_squeeze %dma_start3A_740 : memref<1x16xi32, #tpu.memory_space<vmem>> -> memref<16xi32, #tpu.memory_space<vmem>>
      %dma_start3A_742 = arith.constant 0 : i32
      %dma_start3A_743 = arith.constant 0 : i32
      %dma_start3A_744 = tpu.memref_slice %arg2[%dma_start3A_742, %dma_start3A_743] : memref<8192x1024xf32, #tpu.memory_space<hbm>> -> memref<8192x1024xf32, #tpu.memory_space<hbm>>
      %dma_start3A_745 = tpu.memref_slice %arg7[%dma_start3A_734] : memref<6x!tpu.dma_semaphore, #tpu.memory_space<semaphore_mem>> -> memref<1x!tpu.dma_semaphore, #tpu.memory_space<semaphore_mem>>
      %dma_start3A_746 = tpu.memref_squeeze %dma_start3A_745 : memref<1x!tpu.dma_semaphore, #tpu.memory_space<semaphore_mem>> -> memref<!tpu.dma_semaphore, #tpu.memory_space<semaphore_mem>>
      tpu.enqueue_indirect_dma source(%dma_start3A_744 : memref<8192x1024xf32, #tpu.memory_space<hbm>>) target(%dma_start3A_738 : memref<16x1024xf32, #tpu.memory_space<vmem>>) offsets(%dma_start3A_741 : memref<16xi32, #tpu.memory_space<vmem>>) semaphore(%dma_start3A_746 : memref<!tpu.dma_semaphore, #tpu.memory_space<semaphore_mem>>)
      %add3A_747 = arith.constant 1 : i32
      %add3A_748 = arith.addi %add3A_673, %add3A_747 : i32
      %dma_wait3A_749 = arith.constant 2 : i32
      %dma_wait3A_750 = arith.constant 2 : i32
      %dma_wait3A_751 = arith.constant 0 : i32
      %dma_wait3A_752 = arith.constant 0 : i32
      %dma_wait3A_753 = tpu.memref_slice %arg6[%dma_wait3A_749, %dma_wait3A_751, %dma_wait3A_752] : memref<6x16x1024xf32, #tpu.memory_space<vmem>> -> memref<1x16x1024xf32, #tpu.memory_space<vmem>>
      %dma_wait3A_754 = tpu.memref_squeeze %dma_wait3A_753 : memref<1x16x1024xf32, #tpu.memory_space<vmem>> -> memref<16x1024xf32, #tpu.memory_space<vmem>>
      %dma_wait3A_755 = arith.constant 0 : i32
      %dma_wait3A_756 = tpu.memref_slice %arg5[%add3A_748, %dma_wait3A_755] : memref<64x16xi32, #tpu.memory_space<vmem>> -> memref<1x16xi32, #tpu.memory_space<vmem>>
      %dma_wait3A_757 = tpu.memref_squeeze %dma_wait3A_756 : memref<1x16xi32, #tpu.memory_space<vmem>> -> memref<16xi32, #tpu.memory_space<vmem>>
      %dma_wait3A_758 = arith.constant 0 : i32
      %dma_wait3A_759 = arith.constant 0 : i32
      %dma_wait3A_760 = tpu.memref_slice %arg2[%dma_wait3A_758, %dma_wait3A_759] : memref<8192x1024xf32, #tpu.memory_space<hbm>> -> memref<8192x1024xf32, #tpu.memory_space<hbm>>
      %dma_wait3A_761 = tpu.memref_slice %arg7[%dma_wait3A_750] : memref<6x!tpu.dma_semaphore, #tpu.memory_space<semaphore_mem>> -> memref<1x!tpu.dma_semaphore, #tpu.memory_space<semaphore_mem>>
      %dma_wait3A_762 = tpu.memref_squeeze %dma_wait3A_761 : memref<1x!tpu.dma_semaphore, #tpu.memory_space<semaphore_mem>> -> memref<!tpu.dma_semaphore, #tpu.memory_space<semaphore_mem>>
      tpu.wait_indirect_dma semaphore(%dma_wait3A_762 : memref<!tpu.dma_semaphore, #tpu.memory_space<semaphore_mem>>) src(%dma_wait3A_760 : memref<8192x1024xf32, #tpu.memory_space<hbm>>) dst(%dma_wait3A_754 : memref<16x1024xf32, #tpu.memory_space<vmem>>)
      %mul3A_763 = arith.constant 16 : i32
      %mul3A_764 = arith.muli %add3A_748, %mul3A_763 : i32
      %add3A_765 = arith.addi %mul3A_2, %mul3A_764 : i32
      %dma_start3A_766 = arith.constant 2 : i32
      %dma_start3A_767 = arith.constant 2 : i32
      %dma_start3A_768 = arith.constant 0 : i32
      %dma_start3A_769 = arith.constant 0 : i32
      %dma_start3A_770 = tpu.memref_slice %arg6[%dma_start3A_766, %dma_start3A_768, %dma_start3A_769] : memref<6x16x1024xf32, #tpu.memory_space<vmem>> -> memref<1x16x1024xf32, #tpu.memory_space<vmem>>
      %dma_start3A_771 = tpu.memref_squeeze %dma_start3A_770 : memref<1x16x1024xf32, #tpu.memory_space<vmem>> -> memref<16x1024xf32, #tpu.memory_space<vmem>>
      %dma_start3A_772 = arith.constant 0 : i32
      %dma_start3A_773 = tpu.memref_slice %arg4[%add3A_765, %dma_start3A_772] : memref<32768x1024xf32, #tpu.memory_space<hbm>> -> memref<16x1024xf32, #tpu.memory_space<hbm>>
      %dma_start3A_774 = tpu.memref_slice %arg8[%dma_start3A_767] : memref<6x!tpu.dma_semaphore, #tpu.memory_space<semaphore_mem>> -> memref<1x!tpu.dma_semaphore, #tpu.memory_space<semaphore_mem>>
      %dma_start3A_775 = tpu.memref_squeeze %dma_start3A_774 : memref<1x!tpu.dma_semaphore, #tpu.memory_space<semaphore_mem>> -> memref<!tpu.dma_semaphore, #tpu.memory_space<semaphore_mem>>
      %dma_start3A_776 = arith.constant 0 : i32
      %dma_start3A_777 = tpu.memref_slice %arg4[%add3A_765, %dma_start3A_776] : memref<32768x1024xf32, #tpu.memory_space<hbm>> -> memref<16x1024xf32, #tpu.memory_space<hbm>>
      %dma_start3A_778 = arith.constant 0 : i32
      %dma_start3A_779 = arith.constant 0 : i32
      %dma_start3A_780 = tpu.memref_slice %arg6[%dma_start3A_766, %dma_start3A_778, %dma_start3A_779] : memref<6x16x1024xf32, #tpu.memory_space<vmem>> -> memref<1x16x1024xf32, #tpu.memory_space<vmem>>
      %dma_start3A_781 = tpu.memref_squeeze %dma_start3A_780 : memref<1x16x1024xf32, #tpu.memory_space<vmem>> -> memref<16x1024xf32, #tpu.memory_space<vmem>>
      tpu.enqueue_dma source(%dma_start3A_781 : memref<16x1024xf32, #tpu.memory_space<vmem>>) target(%dma_start3A_777 : memref<16x1024xf32, #tpu.memory_space<hbm>>) target_semaphore(%dma_start3A_775 : memref<!tpu.dma_semaphore, #tpu.memory_space<semaphore_mem>>)
      %sub3A_782 = arith.constant 1 : i32
      %sub3A_783 = arith.subi %add3A_748, %sub3A_782 : i32
      %mul3A_784 = arith.constant 16 : i32
      %mul3A_785 = arith.muli %sub3A_783, %mul3A_784 : i32
      %add3A_786 = arith.addi %mul3A_2, %mul3A_785 : i32
      %dma_wait3A_787 = arith.constant 1 : i32
      %dma_wait3A_788 = arith.constant 1 : i32
      %dma_wait3A_789 = arith.constant 0 : i32
      %dma_wait3A_790 = arith.constant 0 : i32
      %dma_wait3A_791 = tpu.memref_slice %arg6[%dma_wait3A_787, %dma_wait3A_789, %dma_wait3A_790] : memref<6x16x1024xf32, #tpu.memory_space<vmem>> -> memref<1x16x1024xf32, #tpu.memory_space<vmem>>
      %dma_wait3A_792 = tpu.memref_squeeze %dma_wait3A_791 : memref<1x16x1024xf32, #tpu.memory_space<vmem>> -> memref<16x1024xf32, #tpu.memory_space<vmem>>
      %dma_wait3A_793 = arith.constant 0 : i32
      %dma_wait3A_794 = tpu.memref_slice %arg4[%add3A_786, %dma_wait3A_793] : memref<32768x1024xf32, #tpu.memory_space<hbm>> -> memref<16x1024xf32, #tpu.memory_space<hbm>>
      %dma_wait3A_795 = tpu.memref_slice %arg8[%dma_wait3A_788] : memref<6x!tpu.dma_semaphore, #tpu.memory_space<semaphore_mem>> -> memref<1x!tpu.dma_semaphore, #tpu.memory_space<semaphore_mem>>
      %dma_wait3A_796 = tpu.memref_squeeze %dma_wait3A_795 : memref<1x!tpu.dma_semaphore, #tpu.memory_space<semaphore_mem>> -> memref<!tpu.dma_semaphore, #tpu.memory_space<semaphore_mem>>
      %dma_wait3A_797 = arith.constant 0 : i32
      %dma_wait3A_798 = tpu.memref_slice %arg4[%add3A_786, %dma_wait3A_797] : memref<32768x1024xf32, #tpu.memory_space<hbm>> -> memref<16x1024xf32, #tpu.memory_space<hbm>>
      %dma_wait3A_799 = arith.constant 0 : i32
      %dma_wait3A_800 = arith.constant 0 : i32
      %dma_wait3A_801 = tpu.memref_slice %arg6[%dma_wait3A_787, %dma_wait3A_799, %dma_wait3A_800] : memref<6x16x1024xf32, #tpu.memory_space<vmem>> -> memref<1x16x1024xf32, #tpu.memory_space<vmem>>
      %dma_wait3A_802 = tpu.memref_squeeze %dma_wait3A_801 : memref<1x16x1024xf32, #tpu.memory_space<vmem>> -> memref<16x1024xf32, #tpu.memory_space<vmem>>
      tpu.wait_dma2 semaphore(%dma_wait3A_796 : memref<!tpu.dma_semaphore, #tpu.memory_space<semaphore_mem>>) src(%dma_wait3A_802 : memref<16x1024xf32, #tpu.memory_space<vmem>>) dst(%dma_wait3A_798 : memref<16x1024xf32, #tpu.memory_space<hbm>>)
      %add3A_803 = arith.constant 6 : i32
      %add3A_804 = arith.addi %add3A_748, %add3A_803 : i32
      %sub3A_805 = arith.constant 1 : i32
      %sub3A_806 = arith.subi %add3A_804, %sub3A_805 : i32
      %dma_start3A_807 = arith.constant 1 : i32
      %dma_start3A_808 = arith.constant 1 : i32
      %dma_start3A_809 = arith.constant 0 : i32
      %dma_start3A_810 = arith.constant 0 : i32
      %dma_start3A_811 = tpu.memref_slice %arg6[%dma_start3A_807, %dma_start3A_809, %dma_start3A_810] : memref<6x16x1024xf32, #tpu.memory_space<vmem>> -> memref<1x16x1024xf32, #tpu.memory_space<vmem>>
      %dma_start3A_812 = tpu.memref_squeeze %dma_start3A_811 : memref<1x16x1024xf32, #tpu.memory_space<vmem>> -> memref<16x1024xf32, #tpu.memory_space<vmem>>
      %dma_start3A_813 = arith.constant 0 : i32
      %dma_start3A_814 = tpu.memref_slice %arg5[%sub3A_806, %dma_start3A_813] : memref<64x16xi32, #tpu.memory_space<vmem>> -> memref<1x16xi32, #tpu.memory_space<vmem>>
      %dma_start3A_815 = tpu.memref_squeeze %dma_start3A_814 : memref<1x16xi32, #tpu.memory_space<vmem>> -> memref<16xi32, #tpu.memory_space<vmem>>
      %dma_start3A_816 = arith.constant 0 : i32
      %dma_start3A_817 = arith.constant 0 : i32
      %dma_start3A_818 = tpu.memref_slice %arg2[%dma_start3A_816, %dma_start3A_817] : memref<8192x1024xf32, #tpu.memory_space<hbm>> -> memref<8192x1024xf32, #tpu.memory_space<hbm>>
      %dma_start3A_819 = tpu.memref_slice %arg7[%dma_start3A_808] : memref<6x!tpu.dma_semaphore, #tpu.memory_space<semaphore_mem>> -> memref<1x!tpu.dma_semaphore, #tpu.memory_space<semaphore_mem>>
      %dma_start3A_820 = tpu.memref_squeeze %dma_start3A_819 : memref<1x!tpu.dma_semaphore, #tpu.memory_space<semaphore_mem>> -> memref<!tpu.dma_semaphore, #tpu.memory_space<semaphore_mem>>
      tpu.enqueue_indirect_dma source(%dma_start3A_818 : memref<8192x1024xf32, #tpu.memory_space<hbm>>) target(%dma_start3A_812 : memref<16x1024xf32, #tpu.memory_space<vmem>>) offsets(%dma_start3A_815 : memref<16xi32, #tpu.memory_space<vmem>>) semaphore(%dma_start3A_820 : memref<!tpu.dma_semaphore, #tpu.memory_space<semaphore_mem>>)
      %add3A_821 = arith.constant 2 : i32
      %add3A_822 = arith.addi %add3A_673, %add3A_821 : i32
      %dma_wait3A_823 = arith.constant 3 : i32
      %dma_wait3A_824 = arith.constant 3 : i32
      %dma_wait3A_825 = arith.constant 0 : i32
      %dma_wait3A_826 = arith.constant 0 : i32
      %dma_wait3A_827 = tpu.memref_slice %arg6[%dma_wait3A_823, %dma_wait3A_825, %dma_wait3A_826] : memref<6x16x1024xf32, #tpu.memory_space<vmem>> -> memref<1x16x1024xf32, #tpu.memory_space<vmem>>
      %dma_wait3A_828 = tpu.memref_squeeze %dma_wait3A_827 : memref<1x16x1024xf32, #tpu.memory_space<vmem>> -> memref<16x1024xf32, #tpu.memory_space<vmem>>
      %dma_wait3A_829 = arith.constant 0 : i32
      %dma_wait3A_830 = tpu.memref_slice %arg5[%add3A_822, %dma_wait3A_829] : memref<64x16xi32, #tpu.memory_space<vmem>> -> memref<1x16xi32, #tpu.memory_space<vmem>>
      %dma_wait3A_831 = tpu.memref_squeeze %dma_wait3A_830 : memref<1x16xi32, #tpu.memory_space<vmem>> -> memref<16xi32, #tpu.memory_space<vmem>>
      %dma_wait3A_832 = arith.constant 0 : i32
      %dma_wait3A_833 = arith.constant 0 : i32
      %dma_wait3A_834 = tpu.memref_slice %arg2[%dma_wait3A_832, %dma_wait3A_833] : memref<8192x1024xf32, #tpu.memory_space<hbm>> -> memref<8192x1024xf32, #tpu.memory_space<hbm>>
      %dma_wait3A_835 = tpu.memref_slice %arg7[%dma_wait3A_824] : memref<6x!tpu.dma_semaphore, #tpu.memory_space<semaphore_mem>> -> memref<1x!tpu.dma_semaphore, #tpu.memory_space<semaphore_mem>>
      %dma_wait3A_836 = tpu.memref_squeeze %dma_wait3A_835 : memref<1x!tpu.dma_semaphore, #tpu.memory_space<semaphore_mem>> -> memref<!tpu.dma_semaphore, #tpu.memory_space<semaphore_mem>>
      tpu.wait_indirect_dma semaphore(%dma_wait3A_836 : memref<!tpu.dma_semaphore, #tpu.memory_space<semaphore_mem>>) src(%dma_wait3A_834 : memref<8192x1024xf32, #tpu.memory_space<hbm>>) dst(%dma_wait3A_828 : memref<16x1024xf32, #tpu.memory_space<vmem>>)
      %mul3A_837 = arith.constant 16 : i32
      %mul3A_838 = arith.muli %add3A_822, %mul3A_837 : i32
      %add3A_839 = arith.addi %mul3A_2, %mul3A_838 : i32
      %dma_start3A_840 = arith.constant 3 : i32
      %dma_start3A_841 = arith.constant 3 : i32
      %dma_start3A_842 = arith.constant 0 : i32
      %dma_start3A_843 = arith.constant 0 : i32
      %dma_start3A_844 = tpu.memref_slice %arg6[%dma_start3A_840, %dma_start3A_842, %dma_start3A_843] : memref<6x16x1024xf32, #tpu.memory_space<vmem>> -> memref<1x16x1024xf32, #tpu.memory_space<vmem>>
      %dma_start3A_845 = tpu.memref_squeeze %dma_start3A_844 : memref<1x16x1024xf32, #tpu.memory_space<vmem>> -> memref<16x1024xf32, #tpu.memory_space<vmem>>
      %dma_start3A_846 = arith.constant 0 : i32
      %dma_start3A_847 = tpu.memref_slice %arg4[%add3A_839, %dma_start3A_846] : memref<32768x1024xf32, #tpu.memory_space<hbm>> -> memref<16x1024xf32, #tpu.memory_space<hbm>>
      %dma_start3A_848 = tpu.memref_slice %arg8[%dma_start3A_841] : memref<6x!tpu.dma_semaphore, #tpu.memory_space<semaphore_mem>> -> memref<1x!tpu.dma_semaphore, #tpu.memory_space<semaphore_mem>>
      %dma_start3A_849 = tpu.memref_squeeze %dma_start3A_848 : memref<1x!tpu.dma_semaphore, #tpu.memory_space<semaphore_mem>> -> memref<!tpu.dma_semaphore, #tpu.memory_space<semaphore_mem>>
      %dma_start3A_850 = arith.constant 0 : i32
      %dma_start3A_851 = tpu.memref_slice %arg4[%add3A_839, %dma_start3A_850] : memref<32768x1024xf32, #tpu.memory_space<hbm>> -> memref<16x1024xf32, #tpu.memory_space<hbm>>
      %dma_start3A_852 = arith.constant 0 : i32
      %dma_start3A_853 = arith.constant 0 : i32
      %dma_start3A_854 = tpu.memref_slice %arg6[%dma_start3A_840, %dma_start3A_852, %dma_start3A_853] : memref<6x16x1024xf32, #tpu.memory_space<vmem>> -> memref<1x16x1024xf32, #tpu.memory_space<vmem>>
      %dma_start3A_855 = tpu.memref_squeeze %dma_start3A_854 : memref<1x16x1024xf32, #tpu.memory_space<vmem>> -> memref<16x1024xf32, #tpu.memory_space<vmem>>
      tpu.enqueue_dma source(%dma_start3A_855 : memref<16x1024xf32, #tpu.memory_space<vmem>>) target(%dma_start3A_851 : memref<16x1024xf32, #tpu.memory_space<hbm>>) target_semaphore(%dma_start3A_849 : memref<!tpu.dma_semaphore, #tpu.memory_space<semaphore_mem>>)
      %sub3A_856 = arith.constant 1 : i32
      %sub3A_857 = arith.subi %add3A_822, %sub3A_856 : i32
      %mul3A_858 = arith.constant 16 : i32
      %mul3A_859 = arith.muli %sub3A_857, %mul3A_858 : i32
      %add3A_860 = arith.addi %mul3A_2, %mul3A_859 : i32
      %dma_wait3A_861 = arith.constant 2 : i32
      %dma_wait3A_862 = arith.constant 2 : i32
      %dma_wait3A_863 = arith.constant 0 : i32
      %dma_wait3A_864 = arith.constant 0 : i32
      %dma_wait3A_865 = tpu.memref_slice %arg6[%dma_wait3A_861, %dma_wait3A_863, %dma_wait3A_864] : memref<6x16x1024xf32, #tpu.memory_space<vmem>> -> memref<1x16x1024xf32, #tpu.memory_space<vmem>>
      %dma_wait3A_866 = tpu.memref_squeeze %dma_wait3A_865 : memref<1x16x1024xf32, #tpu.memory_space<vmem>> -> memref<16x1024xf32, #tpu.memory_space<vmem>>
      %dma_wait3A_867 = arith.constant 0 : i32
      %dma_wait3A_868 = tpu.memref_slice %arg4[%add3A_860, %dma_wait3A_867] : memref<32768x1024xf32, #tpu.memory_space<hbm>> -> memref<16x1024xf32, #tpu.memory_space<hbm>>
      %dma_wait3A_869 = tpu.memref_slice %arg8[%dma_wait3A_862] : memref<6x!tpu.dma_semaphore, #tpu.memory_space<semaphore_mem>> -> memref<1x!tpu.dma_semaphore, #tpu.memory_space<semaphore_mem>>
      %dma_wait3A_870 = tpu.memref_squeeze %dma_wait3A_869 : memref<1x!tpu.dma_semaphore, #tpu.memory_space<semaphore_mem>> -> memref<!tpu.dma_semaphore, #tpu.memory_space<semaphore_mem>>
      %dma_wait3A_871 = arith.constant 0 : i32
      %dma_wait3A_872 = tpu.memref_slice %arg4[%add3A_860, %dma_wait3A_871] : memref<32768x1024xf32, #tpu.memory_space<hbm>> -> memref<16x1024xf32, #tpu.memory_space<hbm>>
      %dma_wait3A_873 = arith.constant 0 : i32
      %dma_wait3A_874 = arith.constant 0 : i32
      %dma_wait3A_875 = tpu.memref_slice %arg6[%dma_wait3A_861, %dma_wait3A_873, %dma_wait3A_874] : memref<6x16x1024xf32, #tpu.memory_space<vmem>> -> memref<1x16x1024xf32, #tpu.memory_space<vmem>>
      %dma_wait3A_876 = tpu.memref_squeeze %dma_wait3A_875 : memref<1x16x1024xf32, #tpu.memory_space<vmem>> -> memref<16x1024xf32, #tpu.memory_space<vmem>>
      tpu.wait_dma2 semaphore(%dma_wait3A_870 : memref<!tpu.dma_semaphore, #tpu.memory_space<semaphore_mem>>) src(%dma_wait3A_876 : memref<16x1024xf32, #tpu.memory_space<vmem>>) dst(%dma_wait3A_872 : memref<16x1024xf32, #tpu.memory_space<hbm>>)
      %add3A_877 = arith.constant 6 : i32
      %add3A_878 = arith.addi %add3A_822, %add3A_877 : i32
      %sub3A_879 = arith.constant 1 : i32
      %sub3A_880 = arith.subi %add3A_878, %sub3A_879 : i32
      %dma_start3A_881 = arith.constant 2 : i32
      %dma_start3A_882 = arith.constant 2 : i32
      %dma_start3A_883 = arith.constant 0 : i32
      %dma_start3A_884 = arith.constant 0 : i32
      %dma_start3A_885 = tpu.memref_slice %arg6[%dma_start3A_881, %dma_start3A_883, %dma_start3A_884] : memref<6x16x1024xf32, #tpu.memory_space<vmem>> -> memref<1x16x1024xf32, #tpu.memory_space<vmem>>
      %dma_start3A_886 = tpu.memref_squeeze %dma_start3A_885 : memref<1x16x1024xf32, #tpu.memory_space<vmem>> -> memref<16x1024xf32, #tpu.memory_space<vmem>>
      %dma_start3A_887 = arith.constant 0 : i32
      %dma_start3A_888 = tpu.memref_slice %arg5[%sub3A_880, %dma_start3A_887] : memref<64x16xi32, #tpu.memory_space<vmem>> -> memref<1x16xi32, #tpu.memory_space<vmem>>
      %dma_start3A_889 = tpu.memref_squeeze %dma_start3A_888 : memref<1x16xi32, #tpu.memory_space<vmem>> -> memref<16xi32, #tpu.memory_space<vmem>>
      %dma_start3A_890 = arith.constant 0 : i32
      %dma_start3A_891 = arith.constant 0 : i32
      %dma_start3A_892 = tpu.memref_slice %arg2[%dma_start3A_890, %dma_start3A_891] : memref<8192x1024xf32, #tpu.memory_space<hbm>> -> memref<8192x1024xf32, #tpu.memory_space<hbm>>
      %dma_start3A_893 = tpu.memref_slice %arg7[%dma_start3A_882] : memref<6x!tpu.dma_semaphore, #tpu.memory_space<semaphore_mem>> -> memref<1x!tpu.dma_semaphore, #tpu.memory_space<semaphore_mem>>
      %dma_start3A_894 = tpu.memref_squeeze %dma_start3A_893 : memref<1x!tpu.dma_semaphore, #tpu.memory_space<semaphore_mem>> -> memref<!tpu.dma_semaphore, #tpu.memory_space<semaphore_mem>>
      tpu.enqueue_indirect_dma source(%dma_start3A_892 : memref<8192x1024xf32, #tpu.memory_space<hbm>>) target(%dma_start3A_886 : memref<16x1024xf32, #tpu.memory_space<vmem>>) offsets(%dma_start3A_889 : memref<16xi32, #tpu.memory_space<vmem>>) semaphore(%dma_start3A_894 : memref<!tpu.dma_semaphore, #tpu.memory_space<semaphore_mem>>)
      %add3A_895 = arith.constant 3 : i32
      %add3A_896 = arith.addi %add3A_673, %add3A_895 : i32
      %dma_wait3A_897 = arith.constant 4 : i32
      %dma_wait3A_898 = arith.constant 4 : i32
      %dma_wait3A_899 = arith.constant 0 : i32
      %dma_wait3A_900 = arith.constant 0 : i32
      %dma_wait3A_901 = tpu.memref_slice %arg6[%dma_wait3A_897, %dma_wait3A_899, %dma_wait3A_900] : memref<6x16x1024xf32, #tpu.memory_space<vmem>> -> memref<1x16x1024xf32, #tpu.memory_space<vmem>>
      %dma_wait3A_902 = tpu.memref_squeeze %dma_wait3A_901 : memref<1x16x1024xf32, #tpu.memory_space<vmem>> -> memref<16x1024xf32, #tpu.memory_space<vmem>>
      %dma_wait3A_903 = arith.constant 0 : i32
      %dma_wait3A_904 = tpu.memref_slice %arg5[%add3A_896, %dma_wait3A_903] : memref<64x16xi32, #tpu.memory_space<vmem>> -> memref<1x16xi32, #tpu.memory_space<vmem>>
      %dma_wait3A_905 = tpu.memref_squeeze %dma_wait3A_904 : memref<1x16xi32, #tpu.memory_space<vmem>> -> memref<16xi32, #tpu.memory_space<vmem>>
      %dma_wait3A_906 = arith.constant 0 : i32
      %dma_wait3A_907 = arith.constant 0 : i32
      %dma_wait3A_908 = tpu.memref_slice %arg2[%dma_wait3A_906, %dma_wait3A_907] : memref<8192x1024xf32, #tpu.memory_space<hbm>> -> memref<8192x1024xf32, #tpu.memory_space<hbm>>
      %dma_wait3A_909 = tpu.memref_slice %arg7[%dma_wait3A_898] : memref<6x!tpu.dma_semaphore, #tpu.memory_space<semaphore_mem>> -> memref<1x!tpu.dma_semaphore, #tpu.memory_space<semaphore_mem>>
      %dma_wait3A_910 = tpu.memref_squeeze %dma_wait3A_909 : memref<1x!tpu.dma_semaphore, #tpu.memory_space<semaphore_mem>> -> memref<!tpu.dma_semaphore, #tpu.memory_space<semaphore_mem>>
      tpu.wait_indirect_dma semaphore(%dma_wait3A_910 : memref<!tpu.dma_semaphore, #tpu.memory_space<semaphore_mem>>) src(%dma_wait3A_908 : memref<8192x1024xf32, #tpu.memory_space<hbm>>) dst(%dma_wait3A_902 : memref<16x1024xf32, #tpu.memory_space<vmem>>)
      %mul3A_911 = arith.constant 16 : i32
      %mul3A_912 = arith.muli %add3A_896, %mul3A_911 : i32
      %add3A_913 = arith.addi %mul3A_2, %mul3A_912 : i32
      %dma_start3A_914 = arith.constant 4 : i32
      %dma_start3A_915 = arith.constant 4 : i32
      %dma_start3A_916 = arith.constant 0 : i32
      %dma_start3A_917 = arith.constant 0 : i32
      %dma_start3A_918 = tpu.memref_slice %arg6[%dma_start3A_914, %dma_start3A_916, %dma_start3A_917] : memref<6x16x1024xf32, #tpu.memory_space<vmem>> -> memref<1x16x1024xf32, #tpu.memory_space<vmem>>
      %dma_start3A_919 = tpu.memref_squeeze %dma_start3A_918 : memref<1x16x1024xf32, #tpu.memory_space<vmem>> -> memref<16x1024xf32, #tpu.memory_space<vmem>>
      %dma_start3A_920 = arith.constant 0 : i32
      %dma_start3A_921 = tpu.memref_slice %arg4[%add3A_913, %dma_start3A_920] : memref<32768x1024xf32, #tpu.memory_space<hbm>> -> memref<16x1024xf32, #tpu.memory_space<hbm>>
      %dma_start3A_922 = tpu.memref_slice %arg8[%dma_start3A_915] : memref<6x!tpu.dma_semaphore, #tpu.memory_space<semaphore_mem>> -> memref<1x!tpu.dma_semaphore, #tpu.memory_space<semaphore_mem>>
      %dma_start3A_923 = tpu.memref_squeeze %dma_start3A_922 : memref<1x!tpu.dma_semaphore, #tpu.memory_space<semaphore_mem>> -> memref<!tpu.dma_semaphore, #tpu.memory_space<semaphore_mem>>
      %dma_start3A_924 = arith.constant 0 : i32
      %dma_start3A_925 = tpu.memref_slice %arg4[%add3A_913, %dma_start3A_924] : memref<32768x1024xf32, #tpu.memory_space<hbm>> -> memref<16x1024xf32, #tpu.memory_space<hbm>>
      %dma_start3A_926 = arith.constant 0 : i32
      %dma_start3A_927 = arith.constant 0 : i32
      %dma_start3A_928 = tpu.memref_slice %arg6[%dma_start3A_914, %dma_start3A_926, %dma_start3A_927] : memref<6x16x1024xf32, #tpu.memory_space<vmem>> -> memref<1x16x1024xf32, #tpu.memory_space<vmem>>
      %dma_start3A_929 = tpu.memref_squeeze %dma_start3A_928 : memref<1x16x1024xf32, #tpu.memory_space<vmem>> -> memref<16x1024xf32, #tpu.memory_space<vmem>>
      tpu.enqueue_dma source(%dma_start3A_929 : memref<16x1024xf32, #tpu.memory_space<vmem>>) target(%dma_start3A_925 : memref<16x1024xf32, #tpu.memory_space<hbm>>) target_semaphore(%dma_start3A_923 : memref<!tpu.dma_semaphore, #tpu.memory_space<semaphore_mem>>)
      %sub3A_930 = arith.constant 1 : i32
      %sub3A_931 = arith.subi %add3A_896, %sub3A_930 : i32
      %mul3A_932 = arith.constant 16 : i32
      %mul3A_933 = arith.muli %sub3A_931, %mul3A_932 : i32
      %add3A_934 = arith.addi %mul3A_2, %mul3A_933 : i32
      %dma_wait3A_935 = arith.constant 3 : i32
      %dma_wait3A_936 = arith.constant 3 : i32
      %dma_wait3A_937 = arith.constant 0 : i32
      %dma_wait3A_938 = arith.constant 0 : i32
      %dma_wait3A_939 = tpu.memref_slice %arg6[%dma_wait3A_935, %dma_wait3A_937, %dma_wait3A_938] : memref<6x16x1024xf32, #tpu.memory_space<vmem>> -> memref<1x16x1024xf32, #tpu.memory_space<vmem>>
      %dma_wait3A_940 = tpu.memref_squeeze %dma_wait3A_939 : memref<1x16x1024xf32, #tpu.memory_space<vmem>> -> memref<16x1024xf32, #tpu.memory_space<vmem>>
      %dma_wait3A_941 = arith.constant 0 : i32
      %dma_wait3A_942 = tpu.memref_slice %arg4[%add3A_934, %dma_wait3A_941] : memref<32768x1024xf32, #tpu.memory_space<hbm>> -> memref<16x1024xf32, #tpu.memory_space<hbm>>
      %dma_wait3A_943 = tpu.memref_slice %arg8[%dma_wait3A_936] : memref<6x!tpu.dma_semaphore, #tpu.memory_space<semaphore_mem>> -> memref<1x!tpu.dma_semaphore, #tpu.memory_space<semaphore_mem>>
      %dma_wait3A_944 = tpu.memref_squeeze %dma_wait3A_943 : memref<1x!tpu.dma_semaphore, #tpu.memory_space<semaphore_mem>> -> memref<!tpu.dma_semaphore, #tpu.memory_space<semaphore_mem>>
      %dma_wait3A_945 = arith.constant 0 : i32
      %dma_wait3A_946 = tpu.memref_slice %arg4[%add3A_934, %dma_wait3A_945] : memref<32768x1024xf32, #tpu.memory_space<hbm>> -> memref<16x1024xf32, #tpu.memory_space<hbm>>
      %dma_wait3A_947 = arith.constant 0 : i32
      %dma_wait3A_948 = arith.constant 0 : i32
      %dma_wait3A_949 = tpu.memref_slice %arg6[%dma_wait3A_935, %dma_wait3A_947, %dma_wait3A_948] : memref<6x16x1024xf32, #tpu.memory_space<vmem>> -> memref<1x16x1024xf32, #tpu.memory_space<vmem>>
      %dma_wait3A_950 = tpu.memref_squeeze %dma_wait3A_949 : memref<1x16x1024xf32, #tpu.memory_space<vmem>> -> memref<16x1024xf32, #tpu.memory_space<vmem>>
      tpu.wait_dma2 semaphore(%dma_wait3A_944 : memref<!tpu.dma_semaphore, #tpu.memory_space<semaphore_mem>>) src(%dma_wait3A_950 : memref<16x1024xf32, #tpu.memory_space<vmem>>) dst(%dma_wait3A_946 : memref<16x1024xf32, #tpu.memory_space<hbm>>)
      %add3A_951 = arith.constant 6 : i32
      %add3A_952 = arith.addi %add3A_896, %add3A_951 : i32
      %sub3A_953 = arith.constant 1 : i32
      %sub3A_954 = arith.subi %add3A_952, %sub3A_953 : i32
      %dma_start3A_955 = arith.constant 3 : i32
      %dma_start3A_956 = arith.constant 3 : i32
      %dma_start3A_957 = arith.constant 0 : i32
      %dma_start3A_958 = arith.constant 0 : i32
      %dma_start3A_959 = tpu.memref_slice %arg6[%dma_start3A_955, %dma_start3A_957, %dma_start3A_958] : memref<6x16x1024xf32, #tpu.memory_space<vmem>> -> memref<1x16x1024xf32, #tpu.memory_space<vmem>>
      %dma_start3A_960 = tpu.memref_squeeze %dma_start3A_959 : memref<1x16x1024xf32, #tpu.memory_space<vmem>> -> memref<16x1024xf32, #tpu.memory_space<vmem>>
      %dma_start3A_961 = arith.constant 0 : i32
      %dma_start3A_962 = tpu.memref_slice %arg5[%sub3A_954, %dma_start3A_961] : memref<64x16xi32, #tpu.memory_space<vmem>> -> memref<1x16xi32, #tpu.memory_space<vmem>>
      %dma_start3A_963 = tpu.memref_squeeze %dma_start3A_962 : memref<1x16xi32, #tpu.memory_space<vmem>> -> memref<16xi32, #tpu.memory_space<vmem>>
      %dma_start3A_964 = arith.constant 0 : i32
      %dma_start3A_965 = arith.constant 0 : i32
      %dma_start3A_966 = tpu.memref_slice %arg2[%dma_start3A_964, %dma_start3A_965] : memref<8192x1024xf32, #tpu.memory_space<hbm>> -> memref<8192x1024xf32, #tpu.memory_space<hbm>>
      %dma_start3A_967 = tpu.memref_slice %arg7[%dma_start3A_956] : memref<6x!tpu.dma_semaphore, #tpu.memory_space<semaphore_mem>> -> memref<1x!tpu.dma_semaphore, #tpu.memory_space<semaphore_mem>>
      %dma_start3A_968 = tpu.memref_squeeze %dma_start3A_967 : memref<1x!tpu.dma_semaphore, #tpu.memory_space<semaphore_mem>> -> memref<!tpu.dma_semaphore, #tpu.memory_space<semaphore_mem>>
      tpu.enqueue_indirect_dma source(%dma_start3A_966 : memref<8192x1024xf32, #tpu.memory_space<hbm>>) target(%dma_start3A_960 : memref<16x1024xf32, #tpu.memory_space<vmem>>) offsets(%dma_start3A_963 : memref<16xi32, #tpu.memory_space<vmem>>) semaphore(%dma_start3A_968 : memref<!tpu.dma_semaphore, #tpu.memory_space<semaphore_mem>>)
      %add3A_969 = arith.constant 4 : i32
      %add3A_970 = arith.addi %add3A_673, %add3A_969 : i32
      %dma_wait3A_971 = arith.constant 5 : i32
      %dma_wait3A_972 = arith.constant 5 : i32
      %dma_wait3A_973 = arith.constant 0 : i32
      %dma_wait3A_974 = arith.constant 0 : i32
      %dma_wait3A_975 = tpu.memref_slice %arg6[%dma_wait3A_971, %dma_wait3A_973, %dma_wait3A_974] : memref<6x16x1024xf32, #tpu.memory_space<vmem>> -> memref<1x16x1024xf32, #tpu.memory_space<vmem>>
      %dma_wait3A_976 = tpu.memref_squeeze %dma_wait3A_975 : memref<1x16x1024xf32, #tpu.memory_space<vmem>> -> memref<16x1024xf32, #tpu.memory_space<vmem>>
      %dma_wait3A_977 = arith.constant 0 : i32
      %dma_wait3A_978 = tpu.memref_slice %arg5[%add3A_970, %dma_wait3A_977] : memref<64x16xi32, #tpu.memory_space<vmem>> -> memref<1x16xi32, #tpu.memory_space<vmem>>
      %dma_wait3A_979 = tpu.memref_squeeze %dma_wait3A_978 : memref<1x16xi32, #tpu.memory_space<vmem>> -> memref<16xi32, #tpu.memory_space<vmem>>
      %dma_wait3A_980 = arith.constant 0 : i32
      %dma_wait3A_981 = arith.constant 0 : i32
      %dma_wait3A_982 = tpu.memref_slice %arg2[%dma_wait3A_980, %dma_wait3A_981] : memref<8192x1024xf32, #tpu.memory_space<hbm>> -> memref<8192x1024xf32, #tpu.memory_space<hbm>>
      %dma_wait3A_983 = tpu.memref_slice %arg7[%dma_wait3A_972] : memref<6x!tpu.dma_semaphore, #tpu.memory_space<semaphore_mem>> -> memref<1x!tpu.dma_semaphore, #tpu.memory_space<semaphore_mem>>
      %dma_wait3A_984 = tpu.memref_squeeze %dma_wait3A_983 : memref<1x!tpu.dma_semaphore, #tpu.memory_space<semaphore_mem>> -> memref<!tpu.dma_semaphore, #tpu.memory_space<semaphore_mem>>
      tpu.wait_indirect_dma semaphore(%dma_wait3A_984 : memref<!tpu.dma_semaphore, #tpu.memory_space<semaphore_mem>>) src(%dma_wait3A_982 : memref<8192x1024xf32, #tpu.memory_space<hbm>>) dst(%dma_wait3A_976 : memref<16x1024xf32, #tpu.memory_space<vmem>>)
      %mul3A_985 = arith.constant 16 : i32
      %mul3A_986 = arith.muli %add3A_970, %mul3A_985 : i32
      %add3A_987 = arith.addi %mul3A_2, %mul3A_986 : i32
      %dma_start3A_988 = arith.constant 5 : i32
      %dma_start3A_989 = arith.constant 5 : i32
      %dma_start3A_990 = arith.constant 0 : i32
      %dma_start3A_991 = arith.constant 0 : i32
      %dma_start3A_992 = tpu.memref_slice %arg6[%dma_start3A_988, %dma_start3A_990, %dma_start3A_991] : memref<6x16x1024xf32, #tpu.memory_space<vmem>> -> memref<1x16x1024xf32, #tpu.memory_space<vmem>>
      %dma_start3A_993 = tpu.memref_squeeze %dma_start3A_992 : memref<1x16x1024xf32, #tpu.memory_space<vmem>> -> memref<16x1024xf32, #tpu.memory_space<vmem>>
      %dma_start3A_994 = arith.constant 0 : i32
      %dma_start3A_995 = tpu.memref_slice %arg4[%add3A_987, %dma_start3A_994] : memref<32768x1024xf32, #tpu.memory_space<hbm>> -> memref<16x1024xf32, #tpu.memory_space<hbm>>
      %dma_start3A_996 = tpu.memref_slice %arg8[%dma_start3A_989] : memref<6x!tpu.dma_semaphore, #tpu.memory_space<semaphore_mem>> -> memref<1x!tpu.dma_semaphore, #tpu.memory_space<semaphore_mem>>
      %dma_start3A_997 = tpu.memref_squeeze %dma_start3A_996 : memref<1x!tpu.dma_semaphore, #tpu.memory_space<semaphore_mem>> -> memref<!tpu.dma_semaphore, #tpu.memory_space<semaphore_mem>>
      %dma_start3A_998 = arith.constant 0 : i32
      %dma_start3A_999 = tpu.memref_slice %arg4[%add3A_987, %dma_start3A_998] : memref<32768x1024xf32, #tpu.memory_space<hbm>> -> memref<16x1024xf32, #tpu.memory_space<hbm>>
      %dma_start3A_1000 = arith.constant 0 : i32
      %dma_start3A_1001 = arith.constant 0 : i32
      %dma_start3A_1002 = tpu.memref_slice %arg6[%dma_start3A_988, %dma_start3A_1000, %dma_start3A_1001] : memref<6x16x1024xf32, #tpu.memory_space<vmem>> -> memref<1x16x1024xf32, #tpu.memory_space<vmem>>
      %dma_start3A_1003 = tpu.memref_squeeze %dma_start3A_1002 : memref<1x16x1024xf32, #tpu.memory_space<vmem>> -> memref<16x1024xf32, #tpu.memory_space<vmem>>
      tpu.enqueue_dma source(%dma_start3A_1003 : memref<16x1024xf32, #tpu.memory_space<vmem>>) target(%dma_start3A_999 : memref<16x1024xf32, #tpu.memory_space<hbm>>) target_semaphore(%dma_start3A_997 : memref<!tpu.dma_semaphore, #tpu.memory_space<semaphore_mem>>)
      %sub3A_1004 = arith.constant 1 : i32
      %sub3A_1005 = arith.subi %add3A_970, %sub3A_1004 : i32
      %mul3A_1006 = arith.constant 16 : i32
      %mul3A_1007 = arith.muli %sub3A_1005, %mul3A_1006 : i32
      %add3A_1008 = arith.addi %mul3A_2, %mul3A_1007 : i32
      %dma_wait3A_1009 = arith.constant 4 : i32
      %dma_wait3A_1010 = arith.constant 4 : i32
      %dma_wait3A_1011 = arith.constant 0 : i32
      %dma_wait3A_1012 = arith.constant 0 : i32
      %dma_wait3A_1013 = tpu.memref_slice %arg6[%dma_wait3A_1009, %dma_wait3A_1011, %dma_wait3A_1012] : memref<6x16x1024xf32, #tpu.memory_space<vmem>> -> memref<1x16x1024xf32, #tpu.memory_space<vmem>>
      %dma_wait3A_1014 = tpu.memref_squeeze %dma_wait3A_1013 : memref<1x16x1024xf32, #tpu.memory_space<vmem>> -> memref<16x1024xf32, #tpu.memory_space<vmem>>
      %dma_wait3A_1015 = arith.constant 0 : i32
      %dma_wait3A_1016 = tpu.memref_slice %arg4[%add3A_1008, %dma_wait3A_1015] : memref<32768x1024xf32, #tpu.memory_space<hbm>> -> memref<16x1024xf32, #tpu.memory_space<hbm>>
      %dma_wait3A_1017 = tpu.memref_slice %arg8[%dma_wait3A_1010] : memref<6x!tpu.dma_semaphore, #tpu.memory_space<semaphore_mem>> -> memref<1x!tpu.dma_semaphore, #tpu.memory_space<semaphore_mem>>
      %dma_wait3A_1018 = tpu.memref_squeeze %dma_wait3A_1017 : memref<1x!tpu.dma_semaphore, #tpu.memory_space<semaphore_mem>> -> memref<!tpu.dma_semaphore, #tpu.memory_space<semaphore_mem>>
      %dma_wait3A_1019 = arith.constant 0 : i32
      %dma_wait3A_1020 = tpu.memref_slice %arg4[%add3A_1008, %dma_wait3A_1019] : memref<32768x1024xf32, #tpu.memory_space<hbm>> -> memref<16x1024xf32, #tpu.memory_space<hbm>>
      %dma_wait3A_1021 = arith.constant 0 : i32
      %dma_wait3A_1022 = arith.constant 0 : i32
      %dma_wait3A_1023 = tpu.memref_slice %arg6[%dma_wait3A_1009, %dma_wait3A_1021, %dma_wait3A_1022] : memref<6x16x1024xf32, #tpu.memory_space<vmem>> -> memref<1x16x1024xf32, #tpu.memory_space<vmem>>
      %dma_wait3A_1024 = tpu.memref_squeeze %dma_wait3A_1023 : memref<1x16x1024xf32, #tpu.memory_space<vmem>> -> memref<16x1024xf32, #tpu.memory_space<vmem>>
      tpu.wait_dma2 semaphore(%dma_wait3A_1018 : memref<!tpu.dma_semaphore, #tpu.memory_space<semaphore_mem>>) src(%dma_wait3A_1024 : memref<16x1024xf32, #tpu.memory_space<vmem>>) dst(%dma_wait3A_1020 : memref<16x1024xf32, #tpu.memory_space<hbm>>)
      %add3A_1025 = arith.constant 6 : i32
      %add3A_1026 = arith.addi %add3A_970, %add3A_1025 : i32
      %sub3A_1027 = arith.constant 1 : i32
      %sub3A_1028 = arith.subi %add3A_1026, %sub3A_1027 : i32
      %dma_start3A_1029 = arith.constant 4 : i32
      %dma_start3A_1030 = arith.constant 4 : i32
      %dma_start3A_1031 = arith.constant 0 : i32
      %dma_start3A_1032 = arith.constant 0 : i32
      %dma_start3A_1033 = tpu.memref_slice %arg6[%dma_start3A_1029, %dma_start3A_1031, %dma_start3A_1032] : memref<6x16x1024xf32, #tpu.memory_space<vmem>> -> memref<1x16x1024xf32, #tpu.memory_space<vmem>>
      %dma_start3A_1034 = tpu.memref_squeeze %dma_start3A_1033 : memref<1x16x1024xf32, #tpu.memory_space<vmem>> -> memref<16x1024xf32, #tpu.memory_space<vmem>>
      %dma_start3A_1035 = arith.constant 0 : i32
      %dma_start3A_1036 = tpu.memref_slice %arg5[%sub3A_1028, %dma_start3A_1035] : memref<64x16xi32, #tpu.memory_space<vmem>> -> memref<1x16xi32, #tpu.memory_space<vmem>>
      %dma_start3A_1037 = tpu.memref_squeeze %dma_start3A_1036 : memref<1x16xi32, #tpu.memory_space<vmem>> -> memref<16xi32, #tpu.memory_space<vmem>>
      %dma_start3A_1038 = arith.constant 0 : i32
      %dma_start3A_1039 = arith.constant 0 : i32
      %dma_start3A_1040 = tpu.memref_slice %arg2[%dma_start3A_1038, %dma_start3A_1039] : memref<8192x1024xf32, #tpu.memory_space<hbm>> -> memref<8192x1024xf32, #tpu.memory_space<hbm>>
      %dma_start3A_1041 = tpu.memref_slice %arg7[%dma_start3A_1030] : memref<6x!tpu.dma_semaphore, #tpu.memory_space<semaphore_mem>> -> memref<1x!tpu.dma_semaphore, #tpu.memory_space<semaphore_mem>>
      %dma_start3A_1042 = tpu.memref_squeeze %dma_start3A_1041 : memref<1x!tpu.dma_semaphore, #tpu.memory_space<semaphore_mem>> -> memref<!tpu.dma_semaphore, #tpu.memory_space<semaphore_mem>>
      tpu.enqueue_indirect_dma source(%dma_start3A_1040 : memref<8192x1024xf32, #tpu.memory_space<hbm>>) target(%dma_start3A_1034 : memref<16x1024xf32, #tpu.memory_space<vmem>>) offsets(%dma_start3A_1037 : memref<16xi32, #tpu.memory_space<vmem>>) semaphore(%dma_start3A_1042 : memref<!tpu.dma_semaphore, #tpu.memory_space<semaphore_mem>>)
      %add3A_1043 = arith.constant 5 : i32
      %add3A_1044 = arith.addi %add3A_673, %add3A_1043 : i32
      %dma_wait3A_1045 = arith.constant 0 : i32
      %dma_wait3A_1046 = arith.constant 0 : i32
      %dma_wait3A_1047 = arith.constant 0 : i32
      %dma_wait3A_1048 = arith.constant 0 : i32
      %dma_wait3A_1049 = tpu.memref_slice %arg6[%dma_wait3A_1045, %dma_wait3A_1047, %dma_wait3A_1048] : memref<6x16x1024xf32, #tpu.memory_space<vmem>> -> memref<1x16x1024xf32, #tpu.memory_space<vmem>>
      %dma_wait3A_1050 = tpu.memref_squeeze %dma_wait3A_1049 : memref<1x16x1024xf32, #tpu.memory_space<vmem>> -> memref<16x1024xf32, #tpu.memory_space<vmem>>
      %dma_wait3A_1051 = arith.constant 0 : i32
      %dma_wait3A_1052 = tpu.memref_slice %arg5[%add3A_1044, %dma_wait3A_1051] : memref<64x16xi32, #tpu.memory_space<vmem>> -> memref<1x16xi32, #tpu.memory_space<vmem>>
      %dma_wait3A_1053 = tpu.memref_squeeze %dma_wait3A_1052 : memref<1x16xi32, #tpu.memory_space<vmem>> -> memref<16xi32, #tpu.memory_space<vmem>>
      %dma_wait3A_1054 = arith.constant 0 : i32
      %dma_wait3A_1055 = arith.constant 0 : i32
      %dma_wait3A_1056 = tpu.memref_slice %arg2[%dma_wait3A_1054, %dma_wait3A_1055] : memref<8192x1024xf32, #tpu.memory_space<hbm>> -> memref<8192x1024xf32, #tpu.memory_space<hbm>>
      %dma_wait3A_1057 = tpu.memref_slice %arg7[%dma_wait3A_1046] : memref<6x!tpu.dma_semaphore, #tpu.memory_space<semaphore_mem>> -> memref<1x!tpu.dma_semaphore, #tpu.memory_space<semaphore_mem>>
      %dma_wait3A_1058 = tpu.memref_squeeze %dma_wait3A_1057 : memref<1x!tpu.dma_semaphore, #tpu.memory_space<semaphore_mem>> -> memref<!tpu.dma_semaphore, #tpu.memory_space<semaphore_mem>>
      tpu.wait_indirect_dma semaphore(%dma_wait3A_1058 : memref<!tpu.dma_semaphore, #tpu.memory_space<semaphore_mem>>) src(%dma_wait3A_1056 : memref<8192x1024xf32, #tpu.memory_space<hbm>>) dst(%dma_wait3A_1050 : memref<16x1024xf32, #tpu.memory_space<vmem>>)
      %mul3A_1059 = arith.constant 16 : i32
      %mul3A_1060 = arith.muli %add3A_1044, %mul3A_1059 : i32
      %add3A_1061 = arith.addi %mul3A_2, %mul3A_1060 : i32
      %dma_start3A_1062 = arith.constant 0 : i32
      %dma_start3A_1063 = arith.constant 0 : i32
      %dma_start3A_1064 = arith.constant 0 : i32
      %dma_start3A_1065 = arith.constant 0 : i32
      %dma_start3A_1066 = tpu.memref_slice %arg6[%dma_start3A_1062, %dma_start3A_1064, %dma_start3A_1065] : memref<6x16x1024xf32, #tpu.memory_space<vmem>> -> memref<1x16x1024xf32, #tpu.memory_space<vmem>>
      %dma_start3A_1067 = tpu.memref_squeeze %dma_start3A_1066 : memref<1x16x1024xf32, #tpu.memory_space<vmem>> -> memref<16x1024xf32, #tpu.memory_space<vmem>>
      %dma_start3A_1068 = arith.constant 0 : i32
      %dma_start3A_1069 = tpu.memref_slice %arg4[%add3A_1061, %dma_start3A_1068] : memref<32768x1024xf32, #tpu.memory_space<hbm>> -> memref<16x1024xf32, #tpu.memory_space<hbm>>
      %dma_start3A_1070 = tpu.memref_slice %arg8[%dma_start3A_1063] : memref<6x!tpu.dma_semaphore, #tpu.memory_space<semaphore_mem>> -> memref<1x!tpu.dma_semaphore, #tpu.memory_space<semaphore_mem>>
      %dma_start3A_1071 = tpu.memref_squeeze %dma_start3A_1070 : memref<1x!tpu.dma_semaphore, #tpu.memory_space<semaphore_mem>> -> memref<!tpu.dma_semaphore, #tpu.memory_space<semaphore_mem>>
      %dma_start3A_1072 = arith.constant 0 : i32
      %dma_start3A_1073 = tpu.memref_slice %arg4[%add3A_1061, %dma_start3A_1072] : memref<32768x1024xf32, #tpu.memory_space<hbm>> -> memref<16x1024xf32, #tpu.memory_space<hbm>>
      %dma_start3A_1074 = arith.constant 0 : i32
      %dma_start3A_1075 = arith.constant 0 : i32
      %dma_start3A_1076 = tpu.memref_slice %arg6[%dma_start3A_1062, %dma_start3A_1074, %dma_start3A_1075] : memref<6x16x1024xf32, #tpu.memory_space<vmem>> -> memref<1x16x1024xf32, #tpu.memory_space<vmem>>
      %dma_start3A_1077 = tpu.memref_squeeze %dma_start3A_1076 : memref<1x16x1024xf32, #tpu.memory_space<vmem>> -> memref<16x1024xf32, #tpu.memory_space<vmem>>
      tpu.enqueue_dma source(%dma_start3A_1077 : memref<16x1024xf32, #tpu.memory_space<vmem>>) target(%dma_start3A_1073 : memref<16x1024xf32, #tpu.memory_space<hbm>>) target_semaphore(%dma_start3A_1071 : memref<!tpu.dma_semaphore, #tpu.memory_space<semaphore_mem>>)
      %sub3A_1078 = arith.constant 1 : i32
      %sub3A_1079 = arith.subi %add3A_1044, %sub3A_1078 : i32
      %mul3A_1080 = arith.constant 16 : i32
      %mul3A_1081 = arith.muli %sub3A_1079, %mul3A_1080 : i32
      %add3A_1082 = arith.addi %mul3A_2, %mul3A_1081 : i32
      %dma_wait3A_1083 = arith.constant 5 : i32
      %dma_wait3A_1084 = arith.constant 5 : i32
      %dma_wait3A_1085 = arith.constant 0 : i32
      %dma_wait3A_1086 = arith.constant 0 : i32
      %dma_wait3A_1087 = tpu.memref_slice %arg6[%dma_wait3A_1083, %dma_wait3A_1085, %dma_wait3A_1086] : memref<6x16x1024xf32, #tpu.memory_space<vmem>> -> memref<1x16x1024xf32, #tpu.memory_space<vmem>>
      %dma_wait3A_1088 = tpu.memref_squeeze %dma_wait3A_1087 : memref<1x16x1024xf32, #tpu.memory_space<vmem>> -> memref<16x1024xf32, #tpu.memory_space<vmem>>
      %dma_wait3A_1089 = arith.constant 0 : i32
      %dma_wait3A_1090 = tpu.memref_slice %arg4[%add3A_1082, %dma_wait3A_1089] : memref<32768x1024xf32, #tpu.memory_space<hbm>> -> memref<16x1024xf32, #tpu.memory_space<hbm>>
      %dma_wait3A_1091 = tpu.memref_slice %arg8[%dma_wait3A_1084] : memref<6x!tpu.dma_semaphore, #tpu.memory_space<semaphore_mem>> -> memref<1x!tpu.dma_semaphore, #tpu.memory_space<semaphore_mem>>
      %dma_wait3A_1092 = tpu.memref_squeeze %dma_wait3A_1091 : memref<1x!tpu.dma_semaphore, #tpu.memory_space<semaphore_mem>> -> memref<!tpu.dma_semaphore, #tpu.memory_space<semaphore_mem>>
      %dma_wait3A_1093 = arith.constant 0 : i32
      %dma_wait3A_1094 = tpu.memref_slice %arg4[%add3A_1082, %dma_wait3A_1093] : memref<32768x1024xf32, #tpu.memory_space<hbm>> -> memref<16x1024xf32, #tpu.memory_space<hbm>>
      %dma_wait3A_1095 = arith.constant 0 : i32
      %dma_wait3A_1096 = arith.constant 0 : i32
      %dma_wait3A_1097 = tpu.memref_slice %arg6[%dma_wait3A_1083, %dma_wait3A_1095, %dma_wait3A_1096] : memref<6x16x1024xf32, #tpu.memory_space<vmem>> -> memref<1x16x1024xf32, #tpu.memory_space<vmem>>
      %dma_wait3A_1098 = tpu.memref_squeeze %dma_wait3A_1097 : memref<1x16x1024xf32, #tpu.memory_space<vmem>> -> memref<16x1024xf32, #tpu.memory_space<vmem>>
      tpu.wait_dma2 semaphore(%dma_wait3A_1092 : memref<!tpu.dma_semaphore, #tpu.memory_space<semaphore_mem>>) src(%dma_wait3A_1098 : memref<16x1024xf32, #tpu.memory_space<vmem>>) dst(%dma_wait3A_1094 : memref<16x1024xf32, #tpu.memory_space<hbm>>)
      %add3A_1099 = arith.constant 6 : i32
      %add3A_1100 = arith.addi %add3A_1044, %add3A_1099 : i32
      %sub3A_1101 = arith.constant 1 : i32
      %sub3A_1102 = arith.subi %add3A_1100, %sub3A_1101 : i32
      %dma_start3A_1103 = arith.constant 5 : i32
      %dma_start3A_1104 = arith.constant 5 : i32
      %dma_start3A_1105 = arith.constant 0 : i32
      %dma_start3A_1106 = arith.constant 0 : i32
      %dma_start3A_1107 = tpu.memref_slice %arg6[%dma_start3A_1103, %dma_start3A_1105, %dma_start3A_1106] : memref<6x16x1024xf32, #tpu.memory_space<vmem>> -> memref<1x16x1024xf32, #tpu.memory_space<vmem>>
      %dma_start3A_1108 = tpu.memref_squeeze %dma_start3A_1107 : memref<1x16x1024xf32, #tpu.memory_space<vmem>> -> memref<16x1024xf32, #tpu.memory_space<vmem>>
      %dma_start3A_1109 = arith.constant 0 : i32
      %dma_start3A_1110 = tpu.memref_slice %arg5[%sub3A_1102, %dma_start3A_1109] : memref<64x16xi32, #tpu.memory_space<vmem>> -> memref<1x16xi32, #tpu.memory_space<vmem>>
      %dma_start3A_1111 = tpu.memref_squeeze %dma_start3A_1110 : memref<1x16xi32, #tpu.memory_space<vmem>> -> memref<16xi32, #tpu.memory_space<vmem>>
      %dma_start3A_1112 = arith.constant 0 : i32
      %dma_start3A_1113 = arith.constant 0 : i32
      %dma_start3A_1114 = tpu.memref_slice %arg2[%dma_start3A_1112, %dma_start3A_1113] : memref<8192x1024xf32, #tpu.memory_space<hbm>> -> memref<8192x1024xf32, #tpu.memory_space<hbm>>
      %dma_start3A_1115 = tpu.memref_slice %arg7[%dma_start3A_1104] : memref<6x!tpu.dma_semaphore, #tpu.memory_space<semaphore_mem>> -> memref<1x!tpu.dma_semaphore, #tpu.memory_space<semaphore_mem>>
      %dma_start3A_1116 = tpu.memref_squeeze %dma_start3A_1115 : memref<1x!tpu.dma_semaphore, #tpu.memory_space<semaphore_mem>> -> memref<!tpu.dma_semaphore, #tpu.memory_space<semaphore_mem>>
      tpu.enqueue_indirect_dma source(%dma_start3A_1114 : memref<8192x1024xf32, #tpu.memory_space<hbm>>) target(%dma_start3A_1108 : memref<16x1024xf32, #tpu.memory_space<vmem>>) offsets(%dma_start3A_1111 : memref<16xi32, #tpu.memory_space<vmem>>) semaphore(%dma_start3A_1116 : memref<!tpu.dma_semaphore, #tpu.memory_space<semaphore_mem>>)
    }
    %scan3A_127 = arith.constant 9 : i32
    %dma_wait3A_128 = arith.constant 55 : i32
    %dma_wait3A_129 = arith.constant 1 : i32
    %dma_wait3A_130 = arith.constant 1 : i32
    %dma_wait3A_131 = arith.constant 0 : i32
    %dma_wait3A_132 = arith.constant 0 : i32
    %dma_wait3A_133 = tpu.memref_slice %arg6[%dma_wait3A_129, %dma_wait3A_131, %dma_wait3A_132] : memref<6x16x1024xf32, #tpu.memory_space<vmem>> -> memref<1x16x1024xf32, #tpu.memory_space<vmem>>
    %dma_wait3A_134 = tpu.memref_squeeze %dma_wait3A_133 : memref<1x16x1024xf32, #tpu.memory_space<vmem>> -> memref<16x1024xf32, #tpu.memory_space<vmem>>
    %dma_wait3A_135 = arith.constant 0 : i32
    %dma_wait3A_136 = tpu.memref_slice %arg5[%dma_wait3A_128, %dma_wait3A_135] : memref<64x16xi32, #tpu.memory_space<vmem>> -> memref<1x16xi32, #tpu.memory_space<vmem>>
    %dma_wait3A_137 = tpu.memref_squeeze %dma_wait3A_136 : memref<1x16xi32, #tpu.memory_space<vmem>> -> memref<16xi32, #tpu.memory_space<vmem>>
    %dma_wait3A_138 = arith.constant 0 : i32
    %dma_wait3A_139 = arith.constant 0 : i32
    %dma_wait3A_140 = tpu.memref_slice %arg2[%dma_wait3A_138, %dma_wait3A_139] : memref<8192x1024xf32, #tpu.memory_space<hbm>> -> memref<8192x1024xf32, #tpu.memory_space<hbm>>
    %dma_wait3A_141 = tpu.memref_slice %arg7[%dma_wait3A_130] : memref<6x!tpu.dma_semaphore, #tpu.memory_space<semaphore_mem>> -> memref<1x!tpu.dma_semaphore, #tpu.memory_space<semaphore_mem>>
    %dma_wait3A_142 = tpu.memref_squeeze %dma_wait3A_141 : memref<1x!tpu.dma_semaphore, #tpu.memory_space<semaphore_mem>> -> memref<!tpu.dma_semaphore, #tpu.memory_space<semaphore_mem>>
    tpu.wait_indirect_dma semaphore(%dma_wait3A_142 : memref<!tpu.dma_semaphore, #tpu.memory_space<semaphore_mem>>) src(%dma_wait3A_140 : memref<8192x1024xf32, #tpu.memory_space<hbm>>) dst(%dma_wait3A_134 : memref<16x1024xf32, #tpu.memory_space<vmem>>)
    %add3A_143 = arith.constant 880 : i32
    %add3A_144 = arith.addi %mul3A_2, %add3A_143 : i32
    %dma_start3A_145 = arith.constant 1 : i32
    %dma_start3A_146 = arith.constant 1 : i32
    %dma_start3A_147 = arith.constant 0 : i32
    %dma_start3A_148 = arith.constant 0 : i32
    %dma_start3A_149 = tpu.memref_slice %arg6[%dma_start3A_145, %dma_start3A_147, %dma_start3A_148] : memref<6x16x1024xf32, #tpu.memory_space<vmem>> -> memref<1x16x1024xf32, #tpu.memory_space<vmem>>
    %dma_start3A_150 = tpu.memref_squeeze %dma_start3A_149 : memref<1x16x1024xf32, #tpu.memory_space<vmem>> -> memref<16x1024xf32, #tpu.memory_space<vmem>>
    %dma_start3A_151 = arith.constant 0 : i32
    %dma_start3A_152 = tpu.memref_slice %arg4[%add3A_144, %dma_start3A_151] : memref<32768x1024xf32, #tpu.memory_space<hbm>> -> memref<16x1024xf32, #tpu.memory_space<hbm>>
    %dma_start3A_153 = tpu.memref_slice %arg8[%dma_start3A_146] : memref<6x!tpu.dma_semaphore, #tpu.memory_space<semaphore_mem>> -> memref<1x!tpu.dma_semaphore, #tpu.memory_space<semaphore_mem>>
    %dma_start3A_154 = tpu.memref_squeeze %dma_start3A_153 : memref<1x!tpu.dma_semaphore, #tpu.memory_space<semaphore_mem>> -> memref<!tpu.dma_semaphore, #tpu.memory_space<semaphore_mem>>
    %dma_start3A_155 = arith.constant 0 : i32
    %dma_start3A_156 = tpu.memref_slice %arg4[%add3A_144, %dma_start3A_155] : memref<32768x1024xf32, #tpu.memory_space<hbm>> -> memref<16x1024xf32, #tpu.memory_space<hbm>>
    %dma_start3A_157 = arith.constant 0 : i32
    %dma_start3A_158 = arith.constant 0 : i32
    %dma_start3A_159 = tpu.memref_slice %arg6[%dma_start3A_145, %dma_start3A_157, %dma_start3A_158] : memref<6x16x1024xf32, #tpu.memory_space<vmem>> -> memref<1x16x1024xf32, #tpu.memory_space<vmem>>
    %dma_start3A_160 = tpu.memref_squeeze %dma_start3A_159 : memref<1x16x1024xf32, #tpu.memory_space<vmem>> -> memref<16x1024xf32, #tpu.memory_space<vmem>>
    tpu.enqueue_dma source(%dma_start3A_160 : memref<16x1024xf32, #tpu.memory_space<vmem>>) target(%dma_start3A_156 : memref<16x1024xf32, #tpu.memory_space<hbm>>) target_semaphore(%dma_start3A_154 : memref<!tpu.dma_semaphore, #tpu.memory_space<semaphore_mem>>)
    %add3A_161 = arith.constant 864 : i32
    %add3A_162 = arith.addi %mul3A_2, %add3A_161 : i32
    %dma_wait3A_163 = arith.constant 0 : i32
    %dma_wait3A_164 = arith.constant 0 : i32
    %dma_wait3A_165 = arith.constant 0 : i32
    %dma_wait3A_166 = arith.constant 0 : i32
    %dma_wait3A_167 = tpu.memref_slice %arg6[%dma_wait3A_163, %dma_wait3A_165, %dma_wait3A_166] : memref<6x16x1024xf32, #tpu.memory_space<vmem>> -> memref<1x16x1024xf32, #tpu.memory_space<vmem>>
    %dma_wait3A_168 = tpu.memref_squeeze %dma_wait3A_167 : memref<1x16x1024xf32, #tpu.memory_space<vmem>> -> memref<16x1024xf32, #tpu.memory_space<vmem>>
    %dma_wait3A_169 = arith.constant 0 : i32
    %dma_wait3A_170 = tpu.memref_slice %arg4[%add3A_162, %dma_wait3A_169] : memref<32768x1024xf32, #tpu.memory_space<hbm>> -> memref<16x1024xf32, #tpu.memory_space<hbm>>
    %dma_wait3A_171 = tpu.memref_slice %arg8[%dma_wait3A_164] : memref<6x!tpu.dma_semaphore, #tpu.memory_space<semaphore_mem>> -> memref<1x!tpu.dma_semaphore, #tpu.memory_space<semaphore_mem>>
    %dma_wait3A_172 = tpu.memref_squeeze %dma_wait3A_171 : memref<1x!tpu.dma_semaphore, #tpu.memory_space<semaphore_mem>> -> memref<!tpu.dma_semaphore, #tpu.memory_space<semaphore_mem>>
    %dma_wait3A_173 = arith.constant 0 : i32
    %dma_wait3A_174 = tpu.memref_slice %arg4[%add3A_162, %dma_wait3A_173] : memref<32768x1024xf32, #tpu.memory_space<hbm>> -> memref<16x1024xf32, #tpu.memory_space<hbm>>
    %dma_wait3A_175 = arith.constant 0 : i32
    %dma_wait3A_176 = arith.constant 0 : i32
    %dma_wait3A_177 = tpu.memref_slice %arg6[%dma_wait3A_163, %dma_wait3A_175, %dma_wait3A_176] : memref<6x16x1024xf32, #tpu.memory_space<vmem>> -> memref<1x16x1024xf32, #tpu.memory_space<vmem>>
    %dma_wait3A_178 = tpu.memref_squeeze %dma_wait3A_177 : memref<1x16x1024xf32, #tpu.memory_space<vmem>> -> memref<16x1024xf32, #tpu.memory_space<vmem>>
    tpu.wait_dma2 semaphore(%dma_wait3A_172 : memref<!tpu.dma_semaphore, #tpu.memory_space<semaphore_mem>>) src(%dma_wait3A_178 : memref<16x1024xf32, #tpu.memory_space<vmem>>) dst(%dma_wait3A_174 : memref<16x1024xf32, #tpu.memory_space<hbm>>)
    %dma_start3A_179 = arith.constant 60 : i32
    %dma_start3A_180 = arith.constant 0 : i32
    %dma_start3A_181 = arith.constant 0 : i32
    %dma_start3A_182 = arith.constant 0 : i32
    %dma_start3A_183 = arith.constant 0 : i32
    %dma_start3A_184 = tpu.memref_slice %arg6[%dma_start3A_180, %dma_start3A_182, %dma_start3A_183] : memref<6x16x1024xf32, #tpu.memory_space<vmem>> -> memref<1x16x1024xf32, #tpu.memory_space<vmem>>
    %dma_start3A_185 = tpu.memref_squeeze %dma_start3A_184 : memref<1x16x1024xf32, #tpu.memory_space<vmem>> -> memref<16x1024xf32, #tpu.memory_space<vmem>>
    %dma_start3A_186 = arith.constant 0 : i32
    %dma_start3A_187 = tpu.memref_slice %arg5[%dma_start3A_179, %dma_start3A_186] : memref<64x16xi32, #tpu.memory_space<vmem>> -> memref<1x16xi32, #tpu.memory_space<vmem>>
    %dma_start3A_188 = tpu.memref_squeeze %dma_start3A_187 : memref<1x16xi32, #tpu.memory_space<vmem>> -> memref<16xi32, #tpu.memory_space<vmem>>
    %dma_start3A_189 = arith.constant 0 : i32
    %dma_start3A_190 = arith.constant 0 : i32
    %dma_start3A_191 = tpu.memref_slice %arg2[%dma_start3A_189, %dma_start3A_190] : memref<8192x1024xf32, #tpu.memory_space<hbm>> -> memref<8192x1024xf32, #tpu.memory_space<hbm>>
    %dma_start3A_192 = tpu.memref_slice %arg7[%dma_start3A_181] : memref<6x!tpu.dma_semaphore, #tpu.memory_space<semaphore_mem>> -> memref<1x!tpu.dma_semaphore, #tpu.memory_space<semaphore_mem>>
    %dma_start3A_193 = tpu.memref_squeeze %dma_start3A_192 : memref<1x!tpu.dma_semaphore, #tpu.memory_space<semaphore_mem>> -> memref<!tpu.dma_semaphore, #tpu.memory_space<semaphore_mem>>
    tpu.enqueue_indirect_dma source(%dma_start3A_191 : memref<8192x1024xf32, #tpu.memory_space<hbm>>) target(%dma_start3A_185 : memref<16x1024xf32, #tpu.memory_space<vmem>>) offsets(%dma_start3A_188 : memref<16xi32, #tpu.memory_space<vmem>>) semaphore(%dma_start3A_193 : memref<!tpu.dma_semaphore, #tpu.memory_space<semaphore_mem>>)
    %dma_wait3A_194 = arith.constant 56 : i32
    %dma_wait3A_195 = arith.constant 2 : i32
    %dma_wait3A_196 = arith.constant 2 : i32
    %dma_wait3A_197 = arith.constant 0 : i32
    %dma_wait3A_198 = arith.constant 0 : i32
    %dma_wait3A_199 = tpu.memref_slice %arg6[%dma_wait3A_195, %dma_wait3A_197, %dma_wait3A_198] : memref<6x16x1024xf32, #tpu.memory_space<vmem>> -> memref<1x16x1024xf32, #tpu.memory_space<vmem>>
    %dma_wait3A_200 = tpu.memref_squeeze %dma_wait3A_199 : memref<1x16x1024xf32, #tpu.memory_space<vmem>> -> memref<16x1024xf32, #tpu.memory_space<vmem>>
    %dma_wait3A_201 = arith.constant 0 : i32
    %dma_wait3A_202 = tpu.memref_slice %arg5[%dma_wait3A_194, %dma_wait3A_201] : memref<64x16xi32, #tpu.memory_space<vmem>> -> memref<1x16xi32, #tpu.memory_space<vmem>>
    %dma_wait3A_203 = tpu.memref_squeeze %dma_wait3A_202 : memref<1x16xi32, #tpu.memory_space<vmem>> -> memref<16xi32, #tpu.memory_space<vmem>>
    %dma_wait3A_204 = arith.constant 0 : i32
    %dma_wait3A_205 = arith.constant 0 : i32
    %dma_wait3A_206 = tpu.memref_slice %arg2[%dma_wait3A_204, %dma_wait3A_205] : memref<8192x1024xf32, #tpu.memory_space<hbm>> -> memref<8192x1024xf32, #tpu.memory_space<hbm>>
    %dma_wait3A_207 = tpu.memref_slice %arg7[%dma_wait3A_196] : memref<6x!tpu.dma_semaphore, #tpu.memory_space<semaphore_mem>> -> memref<1x!tpu.dma_semaphore, #tpu.memory_space<semaphore_mem>>
    %dma_wait3A_208 = tpu.memref_squeeze %dma_wait3A_207 : memref<1x!tpu.dma_semaphore, #tpu.memory_space<semaphore_mem>> -> memref<!tpu.dma_semaphore, #tpu.memory_space<semaphore_mem>>
    tpu.wait_indirect_dma semaphore(%dma_wait3A_208 : memref<!tpu.dma_semaphore, #tpu.memory_space<semaphore_mem>>) src(%dma_wait3A_206 : memref<8192x1024xf32, #tpu.memory_space<hbm>>) dst(%dma_wait3A_200 : memref<16x1024xf32, #tpu.memory_space<vmem>>)
    %add3A_209 = arith.constant 896 : i32
    %add3A_210 = arith.addi %mul3A_2, %add3A_209 : i32
    %dma_start3A_211 = arith.constant 2 : i32
    %dma_start3A_212 = arith.constant 2 : i32
    %dma_start3A_213 = arith.constant 0 : i32
    %dma_start3A_214 = arith.constant 0 : i32
    %dma_start3A_215 = tpu.memref_slice %arg6[%dma_start3A_211, %dma_start3A_213, %dma_start3A_214] : memref<6x16x1024xf32, #tpu.memory_space<vmem>> -> memref<1x16x1024xf32, #tpu.memory_space<vmem>>
    %dma_start3A_216 = tpu.memref_squeeze %dma_start3A_215 : memref<1x16x1024xf32, #tpu.memory_space<vmem>> -> memref<16x1024xf32, #tpu.memory_space<vmem>>
    %dma_start3A_217 = arith.constant 0 : i32
    %dma_start3A_218 = tpu.memref_slice %arg4[%add3A_210, %dma_start3A_217] : memref<32768x1024xf32, #tpu.memory_space<hbm>> -> memref<16x1024xf32, #tpu.memory_space<hbm>>
    %dma_start3A_219 = tpu.memref_slice %arg8[%dma_start3A_212] : memref<6x!tpu.dma_semaphore, #tpu.memory_space<semaphore_mem>> -> memref<1x!tpu.dma_semaphore, #tpu.memory_space<semaphore_mem>>
    %dma_start3A_220 = tpu.memref_squeeze %dma_start3A_219 : memref<1x!tpu.dma_semaphore, #tpu.memory_space<semaphore_mem>> -> memref<!tpu.dma_semaphore, #tpu.memory_space<semaphore_mem>>
    %dma_start3A_221 = arith.constant 0 : i32
    %dma_start3A_222 = tpu.memref_slice %arg4[%add3A_210, %dma_start3A_221] : memref<32768x1024xf32, #tpu.memory_space<hbm>> -> memref<16x1024xf32, #tpu.memory_space<hbm>>
    %dma_start3A_223 = arith.constant 0 : i32
    %dma_start3A_224 = arith.constant 0 : i32
    %dma_start3A_225 = tpu.memref_slice %arg6[%dma_start3A_211, %dma_start3A_223, %dma_start3A_224] : memref<6x16x1024xf32, #tpu.memory_space<vmem>> -> memref<1x16x1024xf32, #tpu.memory_space<vmem>>
    %dma_start3A_226 = tpu.memref_squeeze %dma_start3A_225 : memref<1x16x1024xf32, #tpu.memory_space<vmem>> -> memref<16x1024xf32, #tpu.memory_space<vmem>>
    tpu.enqueue_dma source(%dma_start3A_226 : memref<16x1024xf32, #tpu.memory_space<vmem>>) target(%dma_start3A_222 : memref<16x1024xf32, #tpu.memory_space<hbm>>) target_semaphore(%dma_start3A_220 : memref<!tpu.dma_semaphore, #tpu.memory_space<semaphore_mem>>)
    %add3A_227 = arith.constant 880 : i32
    %add3A_228 = arith.addi %mul3A_2, %add3A_227 : i32
    %dma_wait3A_229 = arith.constant 1 : i32
    %dma_wait3A_230 = arith.constant 1 : i32
    %dma_wait3A_231 = arith.constant 0 : i32
    %dma_wait3A_232 = arith.constant 0 : i32
    %dma_wait3A_233 = tpu.memref_slice %arg6[%dma_wait3A_229, %dma_wait3A_231, %dma_wait3A_232] : memref<6x16x1024xf32, #tpu.memory_space<vmem>> -> memref<1x16x1024xf32, #tpu.memory_space<vmem>>
    %dma_wait3A_234 = tpu.memref_squeeze %dma_wait3A_233 : memref<1x16x1024xf32, #tpu.memory_space<vmem>> -> memref<16x1024xf32, #tpu.memory_space<vmem>>
    %dma_wait3A_235 = arith.constant 0 : i32
    %dma_wait3A_236 = tpu.memref_slice %arg4[%add3A_228, %dma_wait3A_235] : memref<32768x1024xf32, #tpu.memory_space<hbm>> -> memref<16x1024xf32, #tpu.memory_space<hbm>>
    %dma_wait3A_237 = tpu.memref_slice %arg8[%dma_wait3A_230] : memref<6x!tpu.dma_semaphore, #tpu.memory_space<semaphore_mem>> -> memref<1x!tpu.dma_semaphore, #tpu.memory_space<semaphore_mem>>
    %dma_wait3A_238 = tpu.memref_squeeze %dma_wait3A_237 : memref<1x!tpu.dma_semaphore, #tpu.memory_space<semaphore_mem>> -> memref<!tpu.dma_semaphore, #tpu.memory_space<semaphore_mem>>
    %dma_wait3A_239 = arith.constant 0 : i32
    %dma_wait3A_240 = tpu.memref_slice %arg4[%add3A_228, %dma_wait3A_239] : memref<32768x1024xf32, #tpu.memory_space<hbm>> -> memref<16x1024xf32, #tpu.memory_space<hbm>>
    %dma_wait3A_241 = arith.constant 0 : i32
    %dma_wait3A_242 = arith.constant 0 : i32
    %dma_wait3A_243 = tpu.memref_slice %arg6[%dma_wait3A_229, %dma_wait3A_241, %dma_wait3A_242] : memref<6x16x1024xf32, #tpu.memory_space<vmem>> -> memref<1x16x1024xf32, #tpu.memory_space<vmem>>
    %dma_wait3A_244 = tpu.memref_squeeze %dma_wait3A_243 : memref<1x16x1024xf32, #tpu.memory_space<vmem>> -> memref<16x1024xf32, #tpu.memory_space<vmem>>
    tpu.wait_dma2 semaphore(%dma_wait3A_238 : memref<!tpu.dma_semaphore, #tpu.memory_space<semaphore_mem>>) src(%dma_wait3A_244 : memref<16x1024xf32, #tpu.memory_space<vmem>>) dst(%dma_wait3A_240 : memref<16x1024xf32, #tpu.memory_space<hbm>>)
    %dma_start3A_245 = arith.constant 61 : i32
    %dma_start3A_246 = arith.constant 1 : i32
    %dma_start3A_247 = arith.constant 1 : i32
    %dma_start3A_248 = arith.constant 0 : i32
    %dma_start3A_249 = arith.constant 0 : i32
    %dma_start3A_250 = tpu.memref_slice %arg6[%dma_start3A_246, %dma_start3A_248, %dma_start3A_249] : memref<6x16x1024xf32, #tpu.memory_space<vmem>> -> memref<1x16x1024xf32, #tpu.memory_space<vmem>>
    %dma_start3A_251 = tpu.memref_squeeze %dma_start3A_250 : memref<1x16x1024xf32, #tpu.memory_space<vmem>> -> memref<16x1024xf32, #tpu.memory_space<vmem>>
    %dma_start3A_252 = arith.constant 0 : i32
    %dma_start3A_253 = tpu.memref_slice %arg5[%dma_start3A_245, %dma_start3A_252] : memref<64x16xi32, #tpu.memory_space<vmem>> -> memref<1x16xi32, #tpu.memory_space<vmem>>
    %dma_start3A_254 = tpu.memref_squeeze %dma_start3A_253 : memref<1x16xi32, #tpu.memory_space<vmem>> -> memref<16xi32, #tpu.memory_space<vmem>>
    %dma_start3A_255 = arith.constant 0 : i32
    %dma_start3A_256 = arith.constant 0 : i32
    %dma_start3A_257 = tpu.memref_slice %arg2[%dma_start3A_255, %dma_start3A_256] : memref<8192x1024xf32, #tpu.memory_space<hbm>> -> memref<8192x1024xf32, #tpu.memory_space<hbm>>
    %dma_start3A_258 = tpu.memref_slice %arg7[%dma_start3A_247] : memref<6x!tpu.dma_semaphore, #tpu.memory_space<semaphore_mem>> -> memref<1x!tpu.dma_semaphore, #tpu.memory_space<semaphore_mem>>
    %dma_start3A_259 = tpu.memref_squeeze %dma_start3A_258 : memref<1x!tpu.dma_semaphore, #tpu.memory_space<semaphore_mem>> -> memref<!tpu.dma_semaphore, #tpu.memory_space<semaphore_mem>>
    tpu.enqueue_indirect_dma source(%dma_start3A_257 : memref<8192x1024xf32, #tpu.memory_space<hbm>>) target(%dma_start3A_251 : memref<16x1024xf32, #tpu.memory_space<vmem>>) offsets(%dma_start3A_254 : memref<16xi32, #tpu.memory_space<vmem>>) semaphore(%dma_start3A_259 : memref<!tpu.dma_semaphore, #tpu.memory_space<semaphore_mem>>)
    %dma_wait3A_260 = arith.constant 57 : i32
    %dma_wait3A_261 = arith.constant 3 : i32
    %dma_wait3A_262 = arith.constant 3 : i32
    %dma_wait3A_263 = arith.constant 0 : i32
    %dma_wait3A_264 = arith.constant 0 : i32
    %dma_wait3A_265 = tpu.memref_slice %arg6[%dma_wait3A_261, %dma_wait3A_263, %dma_wait3A_264] : memref<6x16x1024xf32, #tpu.memory_space<vmem>> -> memref<1x16x1024xf32, #tpu.memory_space<vmem>>
    %dma_wait3A_266 = tpu.memref_squeeze %dma_wait3A_265 : memref<1x16x1024xf32, #tpu.memory_space<vmem>> -> memref<16x1024xf32, #tpu.memory_space<vmem>>
    %dma_wait3A_267 = arith.constant 0 : i32
    %dma_wait3A_268 = tpu.memref_slice %arg5[%dma_wait3A_260, %dma_wait3A_267] : memref<64x16xi32, #tpu.memory_space<vmem>> -> memref<1x16xi32, #tpu.memory_space<vmem>>
    %dma_wait3A_269 = tpu.memref_squeeze %dma_wait3A_268 : memref<1x16xi32, #tpu.memory_space<vmem>> -> memref<16xi32, #tpu.memory_space<vmem>>
    %dma_wait3A_270 = arith.constant 0 : i32
    %dma_wait3A_271 = arith.constant 0 : i32
    %dma_wait3A_272 = tpu.memref_slice %arg2[%dma_wait3A_270, %dma_wait3A_271] : memref<8192x1024xf32, #tpu.memory_space<hbm>> -> memref<8192x1024xf32, #tpu.memory_space<hbm>>
    %dma_wait3A_273 = tpu.memref_slice %arg7[%dma_wait3A_262] : memref<6x!tpu.dma_semaphore, #tpu.memory_space<semaphore_mem>> -> memref<1x!tpu.dma_semaphore, #tpu.memory_space<semaphore_mem>>
    %dma_wait3A_274 = tpu.memref_squeeze %dma_wait3A_273 : memref<1x!tpu.dma_semaphore, #tpu.memory_space<semaphore_mem>> -> memref<!tpu.dma_semaphore, #tpu.memory_space<semaphore_mem>>
    tpu.wait_indirect_dma semaphore(%dma_wait3A_274 : memref<!tpu.dma_semaphore, #tpu.memory_space<semaphore_mem>>) src(%dma_wait3A_272 : memref<8192x1024xf32, #tpu.memory_space<hbm>>) dst(%dma_wait3A_266 : memref<16x1024xf32, #tpu.memory_space<vmem>>)
    %add3A_275 = arith.constant 912 : i32
    %add3A_276 = arith.addi %mul3A_2, %add3A_275 : i32
    %dma_start3A_277 = arith.constant 3 : i32
    %dma_start3A_278 = arith.constant 3 : i32
    %dma_start3A_279 = arith.constant 0 : i32
    %dma_start3A_280 = arith.constant 0 : i32
    %dma_start3A_281 = tpu.memref_slice %arg6[%dma_start3A_277, %dma_start3A_279, %dma_start3A_280] : memref<6x16x1024xf32, #tpu.memory_space<vmem>> -> memref<1x16x1024xf32, #tpu.memory_space<vmem>>
    %dma_start3A_282 = tpu.memref_squeeze %dma_start3A_281 : memref<1x16x1024xf32, #tpu.memory_space<vmem>> -> memref<16x1024xf32, #tpu.memory_space<vmem>>
    %dma_start3A_283 = arith.constant 0 : i32
    %dma_start3A_284 = tpu.memref_slice %arg4[%add3A_276, %dma_start3A_283] : memref<32768x1024xf32, #tpu.memory_space<hbm>> -> memref<16x1024xf32, #tpu.memory_space<hbm>>
    %dma_start3A_285 = tpu.memref_slice %arg8[%dma_start3A_278] : memref<6x!tpu.dma_semaphore, #tpu.memory_space<semaphore_mem>> -> memref<1x!tpu.dma_semaphore, #tpu.memory_space<semaphore_mem>>
    %dma_start3A_286 = tpu.memref_squeeze %dma_start3A_285 : memref<1x!tpu.dma_semaphore, #tpu.memory_space<semaphore_mem>> -> memref<!tpu.dma_semaphore, #tpu.memory_space<semaphore_mem>>
    %dma_start3A_287 = arith.constant 0 : i32
    %dma_start3A_288 = tpu.memref_slice %arg4[%add3A_276, %dma_start3A_287] : memref<32768x1024xf32, #tpu.memory_space<hbm>> -> memref<16x1024xf32, #tpu.memory_space<hbm>>
    %dma_start3A_289 = arith.constant 0 : i32
    %dma_start3A_290 = arith.constant 0 : i32
    %dma_start3A_291 = tpu.memref_slice %arg6[%dma_start3A_277, %dma_start3A_289, %dma_start3A_290] : memref<6x16x1024xf32, #tpu.memory_space<vmem>> -> memref<1x16x1024xf32, #tpu.memory_space<vmem>>
    %dma_start3A_292 = tpu.memref_squeeze %dma_start3A_291 : memref<1x16x1024xf32, #tpu.memory_space<vmem>> -> memref<16x1024xf32, #tpu.memory_space<vmem>>
    tpu.enqueue_dma source(%dma_start3A_292 : memref<16x1024xf32, #tpu.memory_space<vmem>>) target(%dma_start3A_288 : memref<16x1024xf32, #tpu.memory_space<hbm>>) target_semaphore(%dma_start3A_286 : memref<!tpu.dma_semaphore, #tpu.memory_space<semaphore_mem>>)
    %add3A_293 = arith.constant 896 : i32
    %add3A_294 = arith.addi %mul3A_2, %add3A_293 : i32
    %dma_wait3A_295 = arith.constant 2 : i32
    %dma_wait3A_296 = arith.constant 2 : i32
    %dma_wait3A_297 = arith.constant 0 : i32
    %dma_wait3A_298 = arith.constant 0 : i32
    %dma_wait3A_299 = tpu.memref_slice %arg6[%dma_wait3A_295, %dma_wait3A_297, %dma_wait3A_298] : memref<6x16x1024xf32, #tpu.memory_space<vmem>> -> memref<1x16x1024xf32, #tpu.memory_space<vmem>>
    %dma_wait3A_300 = tpu.memref_squeeze %dma_wait3A_299 : memref<1x16x1024xf32, #tpu.memory_space<vmem>> -> memref<16x1024xf32, #tpu.memory_space<vmem>>
    %dma_wait3A_301 = arith.constant 0 : i32
    %dma_wait3A_302 = tpu.memref_slice %arg4[%add3A_294, %dma_wait3A_301] : memref<32768x1024xf32, #tpu.memory_space<hbm>> -> memref<16x1024xf32, #tpu.memory_space<hbm>>
    %dma_wait3A_303 = tpu.memref_slice %arg8[%dma_wait3A_296] : memref<6x!tpu.dma_semaphore, #tpu.memory_space<semaphore_mem>> -> memref<1x!tpu.dma_semaphore, #tpu.memory_space<semaphore_mem>>
    %dma_wait3A_304 = tpu.memref_squeeze %dma_wait3A_303 : memref<1x!tpu.dma_semaphore, #tpu.memory_space<semaphore_mem>> -> memref<!tpu.dma_semaphore, #tpu.memory_space<semaphore_mem>>
    %dma_wait3A_305 = arith.constant 0 : i32
    %dma_wait3A_306 = tpu.memref_slice %arg4[%add3A_294, %dma_wait3A_305] : memref<32768x1024xf32, #tpu.memory_space<hbm>> -> memref<16x1024xf32, #tpu.memory_space<hbm>>
    %dma_wait3A_307 = arith.constant 0 : i32
    %dma_wait3A_308 = arith.constant 0 : i32
    %dma_wait3A_309 = tpu.memref_slice %arg6[%dma_wait3A_295, %dma_wait3A_307, %dma_wait3A_308] : memref<6x16x1024xf32, #tpu.memory_space<vmem>> -> memref<1x16x1024xf32, #tpu.memory_space<vmem>>
    %dma_wait3A_310 = tpu.memref_squeeze %dma_wait3A_309 : memref<1x16x1024xf32, #tpu.memory_space<vmem>> -> memref<16x1024xf32, #tpu.memory_space<vmem>>
    tpu.wait_dma2 semaphore(%dma_wait3A_304 : memref<!tpu.dma_semaphore, #tpu.memory_space<semaphore_mem>>) src(%dma_wait3A_310 : memref<16x1024xf32, #tpu.memory_space<vmem>>) dst(%dma_wait3A_306 : memref<16x1024xf32, #tpu.memory_space<hbm>>)
    %dma_start3A_311 = arith.constant 62 : i32
    %dma_start3A_312 = arith.constant 2 : i32
    %dma_start3A_313 = arith.constant 2 : i32
    %dma_start3A_314 = arith.constant 0 : i32
    %dma_start3A_315 = arith.constant 0 : i32
    %dma_start3A_316 = tpu.memref_slice %arg6[%dma_start3A_312, %dma_start3A_314, %dma_start3A_315] : memref<6x16x1024xf32, #tpu.memory_space<vmem>> -> memref<1x16x1024xf32, #tpu.memory_space<vmem>>
    %dma_start3A_317 = tpu.memref_squeeze %dma_start3A_316 : memref<1x16x1024xf32, #tpu.memory_space<vmem>> -> memref<16x1024xf32, #tpu.memory_space<vmem>>
    %dma_start3A_318 = arith.constant 0 : i32
    %dma_start3A_319 = tpu.memref_slice %arg5[%dma_start3A_311, %dma_start3A_318] : memref<64x16xi32, #tpu.memory_space<vmem>> -> memref<1x16xi32, #tpu.memory_space<vmem>>
    %dma_start3A_320 = tpu.memref_squeeze %dma_start3A_319 : memref<1x16xi32, #tpu.memory_space<vmem>> -> memref<16xi32, #tpu.memory_space<vmem>>
    %dma_start3A_321 = arith.constant 0 : i32
    %dma_start3A_322 = arith.constant 0 : i32
    %dma_start3A_323 = tpu.memref_slice %arg2[%dma_start3A_321, %dma_start3A_322] : memref<8192x1024xf32, #tpu.memory_space<hbm>> -> memref<8192x1024xf32, #tpu.memory_space<hbm>>
    %dma_start3A_324 = tpu.memref_slice %arg7[%dma_start3A_313] : memref<6x!tpu.dma_semaphore, #tpu.memory_space<semaphore_mem>> -> memref<1x!tpu.dma_semaphore, #tpu.memory_space<semaphore_mem>>
    %dma_start3A_325 = tpu.memref_squeeze %dma_start3A_324 : memref<1x!tpu.dma_semaphore, #tpu.memory_space<semaphore_mem>> -> memref<!tpu.dma_semaphore, #tpu.memory_space<semaphore_mem>>
    tpu.enqueue_indirect_dma source(%dma_start3A_323 : memref<8192x1024xf32, #tpu.memory_space<hbm>>) target(%dma_start3A_317 : memref<16x1024xf32, #tpu.memory_space<vmem>>) offsets(%dma_start3A_320 : memref<16xi32, #tpu.memory_space<vmem>>) semaphore(%dma_start3A_325 : memref<!tpu.dma_semaphore, #tpu.memory_space<semaphore_mem>>)
    %dma_wait3A_326 = arith.constant 58 : i32
    %dma_wait3A_327 = arith.constant 4 : i32
    %dma_wait3A_328 = arith.constant 4 : i32
    %dma_wait3A_329 = arith.constant 0 : i32
    %dma_wait3A_330 = arith.constant 0 : i32
    %dma_wait3A_331 = tpu.memref_slice %arg6[%dma_wait3A_327, %dma_wait3A_329, %dma_wait3A_330] : memref<6x16x1024xf32, #tpu.memory_space<vmem>> -> memref<1x16x1024xf32, #tpu.memory_space<vmem>>
    %dma_wait3A_332 = tpu.memref_squeeze %dma_wait3A_331 : memref<1x16x1024xf32, #tpu.memory_space<vmem>> -> memref<16x1024xf32, #tpu.memory_space<vmem>>
    %dma_wait3A_333 = arith.constant 0 : i32
    %dma_wait3A_334 = tpu.memref_slice %arg5[%dma_wait3A_326, %dma_wait3A_333] : memref<64x16xi32, #tpu.memory_space<vmem>> -> memref<1x16xi32, #tpu.memory_space<vmem>>
    %dma_wait3A_335 = tpu.memref_squeeze %dma_wait3A_334 : memref<1x16xi32, #tpu.memory_space<vmem>> -> memref<16xi32, #tpu.memory_space<vmem>>
    %dma_wait3A_336 = arith.constant 0 : i32
    %dma_wait3A_337 = arith.constant 0 : i32
    %dma_wait3A_338 = tpu.memref_slice %arg2[%dma_wait3A_336, %dma_wait3A_337] : memref<8192x1024xf32, #tpu.memory_space<hbm>> -> memref<8192x1024xf32, #tpu.memory_space<hbm>>
    %dma_wait3A_339 = tpu.memref_slice %arg7[%dma_wait3A_328] : memref<6x!tpu.dma_semaphore, #tpu.memory_space<semaphore_mem>> -> memref<1x!tpu.dma_semaphore, #tpu.memory_space<semaphore_mem>>
    %dma_wait3A_340 = tpu.memref_squeeze %dma_wait3A_339 : memref<1x!tpu.dma_semaphore, #tpu.memory_space<semaphore_mem>> -> memref<!tpu.dma_semaphore, #tpu.memory_space<semaphore_mem>>
    tpu.wait_indirect_dma semaphore(%dma_wait3A_340 : memref<!tpu.dma_semaphore, #tpu.memory_space<semaphore_mem>>) src(%dma_wait3A_338 : memref<8192x1024xf32, #tpu.memory_space<hbm>>) dst(%dma_wait3A_332 : memref<16x1024xf32, #tpu.memory_space<vmem>>)
    %add3A_341 = arith.constant 928 : i32
    %add3A_342 = arith.addi %mul3A_2, %add3A_341 : i32
    %dma_start3A_343 = arith.constant 4 : i32
    %dma_start3A_344 = arith.constant 4 : i32
    %dma_start3A_345 = arith.constant 0 : i32
    %dma_start3A_346 = arith.constant 0 : i32
    %dma_start3A_347 = tpu.memref_slice %arg6[%dma_start3A_343, %dma_start3A_345, %dma_start3A_346] : memref<6x16x1024xf32, #tpu.memory_space<vmem>> -> memref<1x16x1024xf32, #tpu.memory_space<vmem>>
    %dma_start3A_348 = tpu.memref_squeeze %dma_start3A_347 : memref<1x16x1024xf32, #tpu.memory_space<vmem>> -> memref<16x1024xf32, #tpu.memory_space<vmem>>
    %dma_start3A_349 = arith.constant 0 : i32
    %dma_start3A_350 = tpu.memref_slice %arg4[%add3A_342, %dma_start3A_349] : memref<32768x1024xf32, #tpu.memory_space<hbm>> -> memref<16x1024xf32, #tpu.memory_space<hbm>>
    %dma_start3A_351 = tpu.memref_slice %arg8[%dma_start3A_344] : memref<6x!tpu.dma_semaphore, #tpu.memory_space<semaphore_mem>> -> memref<1x!tpu.dma_semaphore, #tpu.memory_space<semaphore_mem>>
    %dma_start3A_352 = tpu.memref_squeeze %dma_start3A_351 : memref<1x!tpu.dma_semaphore, #tpu.memory_space<semaphore_mem>> -> memref<!tpu.dma_semaphore, #tpu.memory_space<semaphore_mem>>
    %dma_start3A_353 = arith.constant 0 : i32
    %dma_start3A_354 = tpu.memref_slice %arg4[%add3A_342, %dma_start3A_353] : memref<32768x1024xf32, #tpu.memory_space<hbm>> -> memref<16x1024xf32, #tpu.memory_space<hbm>>
    %dma_start3A_355 = arith.constant 0 : i32
    %dma_start3A_356 = arith.constant 0 : i32
    %dma_start3A_357 = tpu.memref_slice %arg6[%dma_start3A_343, %dma_start3A_355, %dma_start3A_356] : memref<6x16x1024xf32, #tpu.memory_space<vmem>> -> memref<1x16x1024xf32, #tpu.memory_space<vmem>>
    %dma_start3A_358 = tpu.memref_squeeze %dma_start3A_357 : memref<1x16x1024xf32, #tpu.memory_space<vmem>> -> memref<16x1024xf32, #tpu.memory_space<vmem>>
    tpu.enqueue_dma source(%dma_start3A_358 : memref<16x1024xf32, #tpu.memory_space<vmem>>) target(%dma_start3A_354 : memref<16x1024xf32, #tpu.memory_space<hbm>>) target_semaphore(%dma_start3A_352 : memref<!tpu.dma_semaphore, #tpu.memory_space<semaphore_mem>>)
    %add3A_359 = arith.constant 912 : i32
    %add3A_360 = arith.addi %mul3A_2, %add3A_359 : i32
    %dma_wait3A_361 = arith.constant 3 : i32
    %dma_wait3A_362 = arith.constant 3 : i32
    %dma_wait3A_363 = arith.constant 0 : i32
    %dma_wait3A_364 = arith.constant 0 : i32
    %dma_wait3A_365 = tpu.memref_slice %arg6[%dma_wait3A_361, %dma_wait3A_363, %dma_wait3A_364] : memref<6x16x1024xf32, #tpu.memory_space<vmem>> -> memref<1x16x1024xf32, #tpu.memory_space<vmem>>
    %dma_wait3A_366 = tpu.memref_squeeze %dma_wait3A_365 : memref<1x16x1024xf32, #tpu.memory_space<vmem>> -> memref<16x1024xf32, #tpu.memory_space<vmem>>
    %dma_wait3A_367 = arith.constant 0 : i32
    %dma_wait3A_368 = tpu.memref_slice %arg4[%add3A_360, %dma_wait3A_367] : memref<32768x1024xf32, #tpu.memory_space<hbm>> -> memref<16x1024xf32, #tpu.memory_space<hbm>>
    %dma_wait3A_369 = tpu.memref_slice %arg8[%dma_wait3A_362] : memref<6x!tpu.dma_semaphore, #tpu.memory_space<semaphore_mem>> -> memref<1x!tpu.dma_semaphore, #tpu.memory_space<semaphore_mem>>
    %dma_wait3A_370 = tpu.memref_squeeze %dma_wait3A_369 : memref<1x!tpu.dma_semaphore, #tpu.memory_space<semaphore_mem>> -> memref<!tpu.dma_semaphore, #tpu.memory_space<semaphore_mem>>
    %dma_wait3A_371 = arith.constant 0 : i32
    %dma_wait3A_372 = tpu.memref_slice %arg4[%add3A_360, %dma_wait3A_371] : memref<32768x1024xf32, #tpu.memory_space<hbm>> -> memref<16x1024xf32, #tpu.memory_space<hbm>>
    %dma_wait3A_373 = arith.constant 0 : i32
    %dma_wait3A_374 = arith.constant 0 : i32
    %dma_wait3A_375 = tpu.memref_slice %arg6[%dma_wait3A_361, %dma_wait3A_373, %dma_wait3A_374] : memref<6x16x1024xf32, #tpu.memory_space<vmem>> -> memref<1x16x1024xf32, #tpu.memory_space<vmem>>
    %dma_wait3A_376 = tpu.memref_squeeze %dma_wait3A_375 : memref<1x16x1024xf32, #tpu.memory_space<vmem>> -> memref<16x1024xf32, #tpu.memory_space<vmem>>
    tpu.wait_dma2 semaphore(%dma_wait3A_370 : memref<!tpu.dma_semaphore, #tpu.memory_space<semaphore_mem>>) src(%dma_wait3A_376 : memref<16x1024xf32, #tpu.memory_space<vmem>>) dst(%dma_wait3A_372 : memref<16x1024xf32, #tpu.memory_space<hbm>>)
    %dma_start3A_377 = arith.constant 63 : i32
    %dma_start3A_378 = arith.constant 3 : i32
    %dma_start3A_379 = arith.constant 3 : i32
    %dma_start3A_380 = arith.constant 0 : i32
    %dma_start3A_381 = arith.constant 0 : i32
    %dma_start3A_382 = tpu.memref_slice %arg6[%dma_start3A_378, %dma_start3A_380, %dma_start3A_381] : memref<6x16x1024xf32, #tpu.memory_space<vmem>> -> memref<1x16x1024xf32, #tpu.memory_space<vmem>>
    %dma_start3A_383 = tpu.memref_squeeze %dma_start3A_382 : memref<1x16x1024xf32, #tpu.memory_space<vmem>> -> memref<16x1024xf32, #tpu.memory_space<vmem>>
    %dma_start3A_384 = arith.constant 0 : i32
    %dma_start3A_385 = tpu.memref_slice %arg5[%dma_start3A_377, %dma_start3A_384] : memref<64x16xi32, #tpu.memory_space<vmem>> -> memref<1x16xi32, #tpu.memory_space<vmem>>
    %dma_start3A_386 = tpu.memref_squeeze %dma_start3A_385 : memref<1x16xi32, #tpu.memory_space<vmem>> -> memref<16xi32, #tpu.memory_space<vmem>>
    %dma_start3A_387 = arith.constant 0 : i32
    %dma_start3A_388 = arith.constant 0 : i32
    %dma_start3A_389 = tpu.memref_slice %arg2[%dma_start3A_387, %dma_start3A_388] : memref<8192x1024xf32, #tpu.memory_space<hbm>> -> memref<8192x1024xf32, #tpu.memory_space<hbm>>
    %dma_start3A_390 = tpu.memref_slice %arg7[%dma_start3A_379] : memref<6x!tpu.dma_semaphore, #tpu.memory_space<semaphore_mem>> -> memref<1x!tpu.dma_semaphore, #tpu.memory_space<semaphore_mem>>
    %dma_start3A_391 = tpu.memref_squeeze %dma_start3A_390 : memref<1x!tpu.dma_semaphore, #tpu.memory_space<semaphore_mem>> -> memref<!tpu.dma_semaphore, #tpu.memory_space<semaphore_mem>>
    tpu.enqueue_indirect_dma source(%dma_start3A_389 : memref<8192x1024xf32, #tpu.memory_space<hbm>>) target(%dma_start3A_383 : memref<16x1024xf32, #tpu.memory_space<vmem>>) offsets(%dma_start3A_386 : memref<16xi32, #tpu.memory_space<vmem>>) semaphore(%dma_start3A_391 : memref<!tpu.dma_semaphore, #tpu.memory_space<semaphore_mem>>)
    %dma_wait3A_392 = arith.constant 59 : i32
    %dma_wait3A_393 = arith.constant 5 : i32
    %dma_wait3A_394 = arith.constant 5 : i32
    %dma_wait3A_395 = arith.constant 0 : i32
    %dma_wait3A_396 = arith.constant 0 : i32
    %dma_wait3A_397 = tpu.memref_slice %arg6[%dma_wait3A_393, %dma_wait3A_395, %dma_wait3A_396] : memref<6x16x1024xf32, #tpu.memory_space<vmem>> -> memref<1x16x1024xf32, #tpu.memory_space<vmem>>
    %dma_wait3A_398 = tpu.memref_squeeze %dma_wait3A_397 : memref<1x16x1024xf32, #tpu.memory_space<vmem>> -> memref<16x1024xf32, #tpu.memory_space<vmem>>
    %dma_wait3A_399 = arith.constant 0 : i32
    %dma_wait3A_400 = tpu.memref_slice %arg5[%dma_wait3A_392, %dma_wait3A_399] : memref<64x16xi32, #tpu.memory_space<vmem>> -> memref<1x16xi32, #tpu.memory_space<vmem>>
    %dma_wait3A_401 = tpu.memref_squeeze %dma_wait3A_400 : memref<1x16xi32, #tpu.memory_space<vmem>> -> memref<16xi32, #tpu.memory_space<vmem>>
    %dma_wait3A_402 = arith.constant 0 : i32
    %dma_wait3A_403 = arith.constant 0 : i32
    %dma_wait3A_404 = tpu.memref_slice %arg2[%dma_wait3A_402, %dma_wait3A_403] : memref<8192x1024xf32, #tpu.memory_space<hbm>> -> memref<8192x1024xf32, #tpu.memory_space<hbm>>
    %dma_wait3A_405 = tpu.memref_slice %arg7[%dma_wait3A_394] : memref<6x!tpu.dma_semaphore, #tpu.memory_space<semaphore_mem>> -> memref<1x!tpu.dma_semaphore, #tpu.memory_space<semaphore_mem>>
    %dma_wait3A_406 = tpu.memref_squeeze %dma_wait3A_405 : memref<1x!tpu.dma_semaphore, #tpu.memory_space<semaphore_mem>> -> memref<!tpu.dma_semaphore, #tpu.memory_space<semaphore_mem>>
    tpu.wait_indirect_dma semaphore(%dma_wait3A_406 : memref<!tpu.dma_semaphore, #tpu.memory_space<semaphore_mem>>) src(%dma_wait3A_404 : memref<8192x1024xf32, #tpu.memory_space<hbm>>) dst(%dma_wait3A_398 : memref<16x1024xf32, #tpu.memory_space<vmem>>)
    %add3A_407 = arith.constant 944 : i32
    %add3A_408 = arith.addi %mul3A_2, %add3A_407 : i32
    %dma_start3A_409 = arith.constant 5 : i32
    %dma_start3A_410 = arith.constant 5 : i32
    %dma_start3A_411 = arith.constant 0 : i32
    %dma_start3A_412 = arith.constant 0 : i32
    %dma_start3A_413 = tpu.memref_slice %arg6[%dma_start3A_409, %dma_start3A_411, %dma_start3A_412] : memref<6x16x1024xf32, #tpu.memory_space<vmem>> -> memref<1x16x1024xf32, #tpu.memory_space<vmem>>
    %dma_start3A_414 = tpu.memref_squeeze %dma_start3A_413 : memref<1x16x1024xf32, #tpu.memory_space<vmem>> -> memref<16x1024xf32, #tpu.memory_space<vmem>>
    %dma_start3A_415 = arith.constant 0 : i32
    %dma_start3A_416 = tpu.memref_slice %arg4[%add3A_408, %dma_start3A_415] : memref<32768x1024xf32, #tpu.memory_space<hbm>> -> memref<16x1024xf32, #tpu.memory_space<hbm>>
    %dma_start3A_417 = tpu.memref_slice %arg8[%dma_start3A_410] : memref<6x!tpu.dma_semaphore, #tpu.memory_space<semaphore_mem>> -> memref<1x!tpu.dma_semaphore, #tpu.memory_space<semaphore_mem>>
    %dma_start3A_418 = tpu.memref_squeeze %dma_start3A_417 : memref<1x!tpu.dma_semaphore, #tpu.memory_space<semaphore_mem>> -> memref<!tpu.dma_semaphore, #tpu.memory_space<semaphore_mem>>
    %dma_start3A_419 = arith.constant 0 : i32
    %dma_start3A_420 = tpu.memref_slice %arg4[%add3A_408, %dma_start3A_419] : memref<32768x1024xf32, #tpu.memory_space<hbm>> -> memref<16x1024xf32, #tpu.memory_space<hbm>>
    %dma_start3A_421 = arith.constant 0 : i32
    %dma_start3A_422 = arith.constant 0 : i32
    %dma_start3A_423 = tpu.memref_slice %arg6[%dma_start3A_409, %dma_start3A_421, %dma_start3A_422] : memref<6x16x1024xf32, #tpu.memory_space<vmem>> -> memref<1x16x1024xf32, #tpu.memory_space<vmem>>
    %dma_start3A_424 = tpu.memref_squeeze %dma_start3A_423 : memref<1x16x1024xf32, #tpu.memory_space<vmem>> -> memref<16x1024xf32, #tpu.memory_space<vmem>>
    tpu.enqueue_dma source(%dma_start3A_424 : memref<16x1024xf32, #tpu.memory_space<vmem>>) target(%dma_start3A_420 : memref<16x1024xf32, #tpu.memory_space<hbm>>) target_semaphore(%dma_start3A_418 : memref<!tpu.dma_semaphore, #tpu.memory_space<semaphore_mem>>)
    %add3A_425 = arith.constant 928 : i32
    %add3A_426 = arith.addi %mul3A_2, %add3A_425 : i32
    %dma_wait3A_427 = arith.constant 4 : i32
    %dma_wait3A_428 = arith.constant 4 : i32
    %dma_wait3A_429 = arith.constant 0 : i32
    %dma_wait3A_430 = arith.constant 0 : i32
    %dma_wait3A_431 = tpu.memref_slice %arg6[%dma_wait3A_427, %dma_wait3A_429, %dma_wait3A_430] : memref<6x16x1024xf32, #tpu.memory_space<vmem>> -> memref<1x16x1024xf32, #tpu.memory_space<vmem>>
    %dma_wait3A_432 = tpu.memref_squeeze %dma_wait3A_431 : memref<1x16x1024xf32, #tpu.memory_space<vmem>> -> memref<16x1024xf32, #tpu.memory_space<vmem>>
    %dma_wait3A_433 = arith.constant 0 : i32
    %dma_wait3A_434 = tpu.memref_slice %arg4[%add3A_426, %dma_wait3A_433] : memref<32768x1024xf32, #tpu.memory_space<hbm>> -> memref<16x1024xf32, #tpu.memory_space<hbm>>
    %dma_wait3A_435 = tpu.memref_slice %arg8[%dma_wait3A_428] : memref<6x!tpu.dma_semaphore, #tpu.memory_space<semaphore_mem>> -> memref<1x!tpu.dma_semaphore, #tpu.memory_space<semaphore_mem>>
    %dma_wait3A_436 = tpu.memref_squeeze %dma_wait3A_435 : memref<1x!tpu.dma_semaphore, #tpu.memory_space<semaphore_mem>> -> memref<!tpu.dma_semaphore, #tpu.memory_space<semaphore_mem>>
    %dma_wait3A_437 = arith.constant 0 : i32
    %dma_wait3A_438 = tpu.memref_slice %arg4[%add3A_426, %dma_wait3A_437] : memref<32768x1024xf32, #tpu.memory_space<hbm>> -> memref<16x1024xf32, #tpu.memory_space<hbm>>
    %dma_wait3A_439 = arith.constant 0 : i32
    %dma_wait3A_440 = arith.constant 0 : i32
    %dma_wait3A_441 = tpu.memref_slice %arg6[%dma_wait3A_427, %dma_wait3A_439, %dma_wait3A_440] : memref<6x16x1024xf32, #tpu.memory_space<vmem>> -> memref<1x16x1024xf32, #tpu.memory_space<vmem>>
    %dma_wait3A_442 = tpu.memref_squeeze %dma_wait3A_441 : memref<1x16x1024xf32, #tpu.memory_space<vmem>> -> memref<16x1024xf32, #tpu.memory_space<vmem>>
    tpu.wait_dma2 semaphore(%dma_wait3A_436 : memref<!tpu.dma_semaphore, #tpu.memory_space<semaphore_mem>>) src(%dma_wait3A_442 : memref<16x1024xf32, #tpu.memory_space<vmem>>) dst(%dma_wait3A_438 : memref<16x1024xf32, #tpu.memory_space<hbm>>)
    %dma_wait3A_443 = arith.constant 60 : i32
    %dma_wait3A_444 = arith.constant 0 : i32
    %dma_wait3A_445 = arith.constant 0 : i32
    %dma_wait3A_446 = arith.constant 0 : i32
    %dma_wait3A_447 = arith.constant 0 : i32
    %dma_wait3A_448 = tpu.memref_slice %arg6[%dma_wait3A_444, %dma_wait3A_446, %dma_wait3A_447] : memref<6x16x1024xf32, #tpu.memory_space<vmem>> -> memref<1x16x1024xf32, #tpu.memory_space<vmem>>
    %dma_wait3A_449 = tpu.memref_squeeze %dma_wait3A_448 : memref<1x16x1024xf32, #tpu.memory_space<vmem>> -> memref<16x1024xf32, #tpu.memory_space<vmem>>
    %dma_wait3A_450 = arith.constant 0 : i32
    %dma_wait3A_451 = tpu.memref_slice %arg5[%dma_wait3A_443, %dma_wait3A_450] : memref<64x16xi32, #tpu.memory_space<vmem>> -> memref<1x16xi32, #tpu.memory_space<vmem>>
    %dma_wait3A_452 = tpu.memref_squeeze %dma_wait3A_451 : memref<1x16xi32, #tpu.memory_space<vmem>> -> memref<16xi32, #tpu.memory_space<vmem>>
    %dma_wait3A_453 = arith.constant 0 : i32
    %dma_wait3A_454 = arith.constant 0 : i32
    %dma_wait3A_455 = tpu.memref_slice %arg2[%dma_wait3A_453, %dma_wait3A_454] : memref<8192x1024xf32, #tpu.memory_space<hbm>> -> memref<8192x1024xf32, #tpu.memory_space<hbm>>
    %dma_wait3A_456 = tpu.memref_slice %arg7[%dma_wait3A_445] : memref<6x!tpu.dma_semaphore, #tpu.memory_space<semaphore_mem>> -> memref<1x!tpu.dma_semaphore, #tpu.memory_space<semaphore_mem>>
    %dma_wait3A_457 = tpu.memref_squeeze %dma_wait3A_456 : memref<1x!tpu.dma_semaphore, #tpu.memory_space<semaphore_mem>> -> memref<!tpu.dma_semaphore, #tpu.memory_space<semaphore_mem>>
    tpu.wait_indirect_dma semaphore(%dma_wait3A_457 : memref<!tpu.dma_semaphore, #tpu.memory_space<semaphore_mem>>) src(%dma_wait3A_455 : memref<8192x1024xf32, #tpu.memory_space<hbm>>) dst(%dma_wait3A_449 : memref<16x1024xf32, #tpu.memory_space<vmem>>)
    %add3A_458 = arith.constant 960 : i32
    %add3A_459 = arith.addi %mul3A_2, %add3A_458 : i32
    %dma_start3A_460 = arith.constant 0 : i32
    %dma_start3A_461 = arith.constant 0 : i32
    %dma_start3A_462 = arith.constant 0 : i32
    %dma_start3A_463 = arith.constant 0 : i32
    %dma_start3A_464 = tpu.memref_slice %arg6[%dma_start3A_460, %dma_start3A_462, %dma_start3A_463] : memref<6x16x1024xf32, #tpu.memory_space<vmem>> -> memref<1x16x1024xf32, #tpu.memory_space<vmem>>
    %dma_start3A_465 = tpu.memref_squeeze %dma_start3A_464 : memref<1x16x1024xf32, #tpu.memory_space<vmem>> -> memref<16x1024xf32, #tpu.memory_space<vmem>>
    %dma_start3A_466 = arith.constant 0 : i32
    %dma_start3A_467 = tpu.memref_slice %arg4[%add3A_459, %dma_start3A_466] : memref<32768x1024xf32, #tpu.memory_space<hbm>> -> memref<16x1024xf32, #tpu.memory_space<hbm>>
    %dma_start3A_468 = tpu.memref_slice %arg8[%dma_start3A_461] : memref<6x!tpu.dma_semaphore, #tpu.memory_space<semaphore_mem>> -> memref<1x!tpu.dma_semaphore, #tpu.memory_space<semaphore_mem>>
    %dma_start3A_469 = tpu.memref_squeeze %dma_start3A_468 : memref<1x!tpu.dma_semaphore, #tpu.memory_space<semaphore_mem>> -> memref<!tpu.dma_semaphore, #tpu.memory_space<semaphore_mem>>
    %dma_start3A_470 = arith.constant 0 : i32
    %dma_start3A_471 = tpu.memref_slice %arg4[%add3A_459, %dma_start3A_470] : memref<32768x1024xf32, #tpu.memory_space<hbm>> -> memref<16x1024xf32, #tpu.memory_space<hbm>>
    %dma_start3A_472 = arith.constant 0 : i32
    %dma_start3A_473 = arith.constant 0 : i32
    %dma_start3A_474 = tpu.memref_slice %arg6[%dma_start3A_460, %dma_start3A_472, %dma_start3A_473] : memref<6x16x1024xf32, #tpu.memory_space<vmem>> -> memref<1x16x1024xf32, #tpu.memory_space<vmem>>
    %dma_start3A_475 = tpu.memref_squeeze %dma_start3A_474 : memref<1x16x1024xf32, #tpu.memory_space<vmem>> -> memref<16x1024xf32, #tpu.memory_space<vmem>>
    tpu.enqueue_dma source(%dma_start3A_475 : memref<16x1024xf32, #tpu.memory_space<vmem>>) target(%dma_start3A_471 : memref<16x1024xf32, #tpu.memory_space<hbm>>) target_semaphore(%dma_start3A_469 : memref<!tpu.dma_semaphore, #tpu.memory_space<semaphore_mem>>)
    %add3A_476 = arith.constant 944 : i32
    %add3A_477 = arith.addi %mul3A_2, %add3A_476 : i32
    %dma_wait3A_478 = arith.constant 5 : i32
    %dma_wait3A_479 = arith.constant 5 : i32
    %dma_wait3A_480 = arith.constant 0 : i32
    %dma_wait3A_481 = arith.constant 0 : i32
    %dma_wait3A_482 = tpu.memref_slice %arg6[%dma_wait3A_478, %dma_wait3A_480, %dma_wait3A_481] : memref<6x16x1024xf32, #tpu.memory_space<vmem>> -> memref<1x16x1024xf32, #tpu.memory_space<vmem>>
    %dma_wait3A_483 = tpu.memref_squeeze %dma_wait3A_482 : memref<1x16x1024xf32, #tpu.memory_space<vmem>> -> memref<16x1024xf32, #tpu.memory_space<vmem>>
    %dma_wait3A_484 = arith.constant 0 : i32
    %dma_wait3A_485 = tpu.memref_slice %arg4[%add3A_477, %dma_wait3A_484] : memref<32768x1024xf32, #tpu.memory_space<hbm>> -> memref<16x1024xf32, #tpu.memory_space<hbm>>
    %dma_wait3A_486 = tpu.memref_slice %arg8[%dma_wait3A_479] : memref<6x!tpu.dma_semaphore, #tpu.memory_space<semaphore_mem>> -> memref<1x!tpu.dma_semaphore, #tpu.memory_space<semaphore_mem>>
    %dma_wait3A_487 = tpu.memref_squeeze %dma_wait3A_486 : memref<1x!tpu.dma_semaphore, #tpu.memory_space<semaphore_mem>> -> memref<!tpu.dma_semaphore, #tpu.memory_space<semaphore_mem>>
    %dma_wait3A_488 = arith.constant 0 : i32
    %dma_wait3A_489 = tpu.memref_slice %arg4[%add3A_477, %dma_wait3A_488] : memref<32768x1024xf32, #tpu.memory_space<hbm>> -> memref<16x1024xf32, #tpu.memory_space<hbm>>
    %dma_wait3A_490 = arith.constant 0 : i32
    %dma_wait3A_491 = arith.constant 0 : i32
    %dma_wait3A_492 = tpu.memref_slice %arg6[%dma_wait3A_478, %dma_wait3A_490, %dma_wait3A_491] : memref<6x16x1024xf32, #tpu.memory_space<vmem>> -> memref<1x16x1024xf32, #tpu.memory_space<vmem>>
    %dma_wait3A_493 = tpu.memref_squeeze %dma_wait3A_492 : memref<1x16x1024xf32, #tpu.memory_space<vmem>> -> memref<16x1024xf32, #tpu.memory_space<vmem>>
    tpu.wait_dma2 semaphore(%dma_wait3A_487 : memref<!tpu.dma_semaphore, #tpu.memory_space<semaphore_mem>>) src(%dma_wait3A_493 : memref<16x1024xf32, #tpu.memory_space<vmem>>) dst(%dma_wait3A_489 : memref<16x1024xf32, #tpu.memory_space<hbm>>)
    %dma_wait3A_494 = arith.constant 61 : i32
    %dma_wait3A_495 = arith.constant 1 : i32
    %dma_wait3A_496 = arith.constant 1 : i32
    %dma_wait3A_497 = arith.constant 0 : i32
    %dma_wait3A_498 = arith.constant 0 : i32
    %dma_wait3A_499 = tpu.memref_slice %arg6[%dma_wait3A_495, %dma_wait3A_497, %dma_wait3A_498] : memref<6x16x1024xf32, #tpu.memory_space<vmem>> -> memref<1x16x1024xf32, #tpu.memory_space<vmem>>
    %dma_wait3A_500 = tpu.memref_squeeze %dma_wait3A_499 : memref<1x16x1024xf32, #tpu.memory_space<vmem>> -> memref<16x1024xf32, #tpu.memory_space<vmem>>
    %dma_wait3A_501 = arith.constant 0 : i32
    %dma_wait3A_502 = tpu.memref_slice %arg5[%dma_wait3A_494, %dma_wait3A_501] : memref<64x16xi32, #tpu.memory_space<vmem>> -> memref<1x16xi32, #tpu.memory_space<vmem>>
    %dma_wait3A_503 = tpu.memref_squeeze %dma_wait3A_502 : memref<1x16xi32, #tpu.memory_space<vmem>> -> memref<16xi32, #tpu.memory_space<vmem>>
    %dma_wait3A_504 = arith.constant 0 : i32
    %dma_wait3A_505 = arith.constant 0 : i32
    %dma_wait3A_506 = tpu.memref_slice %arg2[%dma_wait3A_504, %dma_wait3A_505] : memref<8192x1024xf32, #tpu.memory_space<hbm>> -> memref<8192x1024xf32, #tpu.memory_space<hbm>>
    %dma_wait3A_507 = tpu.memref_slice %arg7[%dma_wait3A_496] : memref<6x!tpu.dma_semaphore, #tpu.memory_space<semaphore_mem>> -> memref<1x!tpu.dma_semaphore, #tpu.memory_space<semaphore_mem>>
    %dma_wait3A_508 = tpu.memref_squeeze %dma_wait3A_507 : memref<1x!tpu.dma_semaphore, #tpu.memory_space<semaphore_mem>> -> memref<!tpu.dma_semaphore, #tpu.memory_space<semaphore_mem>>
    tpu.wait_indirect_dma semaphore(%dma_wait3A_508 : memref<!tpu.dma_semaphore, #tpu.memory_space<semaphore_mem>>) src(%dma_wait3A_506 : memref<8192x1024xf32, #tpu.memory_space<hbm>>) dst(%dma_wait3A_500 : memref<16x1024xf32, #tpu.memory_space<vmem>>)
    %add3A_509 = arith.constant 976 : i32
    %add3A_510 = arith.addi %mul3A_2, %add3A_509 : i32
    %dma_start3A_511 = arith.constant 1 : i32
    %dma_start3A_512 = arith.constant 1 : i32
    %dma_start3A_513 = arith.constant 0 : i32
    %dma_start3A_514 = arith.constant 0 : i32
    %dma_start3A_515 = tpu.memref_slice %arg6[%dma_start3A_511, %dma_start3A_513, %dma_start3A_514] : memref<6x16x1024xf32, #tpu.memory_space<vmem>> -> memref<1x16x1024xf32, #tpu.memory_space<vmem>>
    %dma_start3A_516 = tpu.memref_squeeze %dma_start3A_515 : memref<1x16x1024xf32, #tpu.memory_space<vmem>> -> memref<16x1024xf32, #tpu.memory_space<vmem>>
    %dma_start3A_517 = arith.constant 0 : i32
    %dma_start3A_518 = tpu.memref_slice %arg4[%add3A_510, %dma_start3A_517] : memref<32768x1024xf32, #tpu.memory_space<hbm>> -> memref<16x1024xf32, #tpu.memory_space<hbm>>
    %dma_start3A_519 = tpu.memref_slice %arg8[%dma_start3A_512] : memref<6x!tpu.dma_semaphore, #tpu.memory_space<semaphore_mem>> -> memref<1x!tpu.dma_semaphore, #tpu.memory_space<semaphore_mem>>
    %dma_start3A_520 = tpu.memref_squeeze %dma_start3A_519 : memref<1x!tpu.dma_semaphore, #tpu.memory_space<semaphore_mem>> -> memref<!tpu.dma_semaphore, #tpu.memory_space<semaphore_mem>>
    %dma_start3A_521 = arith.constant 0 : i32
    %dma_start3A_522 = tpu.memref_slice %arg4[%add3A_510, %dma_start3A_521] : memref<32768x1024xf32, #tpu.memory_space<hbm>> -> memref<16x1024xf32, #tpu.memory_space<hbm>>
    %dma_start3A_523 = arith.constant 0 : i32
    %dma_start3A_524 = arith.constant 0 : i32
    %dma_start3A_525 = tpu.memref_slice %arg6[%dma_start3A_511, %dma_start3A_523, %dma_start3A_524] : memref<6x16x1024xf32, #tpu.memory_space<vmem>> -> memref<1x16x1024xf32, #tpu.memory_space<vmem>>
    %dma_start3A_526 = tpu.memref_squeeze %dma_start3A_525 : memref<1x16x1024xf32, #tpu.memory_space<vmem>> -> memref<16x1024xf32, #tpu.memory_space<vmem>>
    tpu.enqueue_dma source(%dma_start3A_526 : memref<16x1024xf32, #tpu.memory_space<vmem>>) target(%dma_start3A_522 : memref<16x1024xf32, #tpu.memory_space<hbm>>) target_semaphore(%dma_start3A_520 : memref<!tpu.dma_semaphore, #tpu.memory_space<semaphore_mem>>)
    %add3A_527 = arith.constant 960 : i32
    %add3A_528 = arith.addi %mul3A_2, %add3A_527 : i32
    %dma_wait3A_529 = arith.constant 0 : i32
    %dma_wait3A_530 = arith.constant 0 : i32
    %dma_wait3A_531 = arith.constant 0 : i32
    %dma_wait3A_532 = arith.constant 0 : i32
    %dma_wait3A_533 = tpu.memref_slice %arg6[%dma_wait3A_529, %dma_wait3A_531, %dma_wait3A_532] : memref<6x16x1024xf32, #tpu.memory_space<vmem>> -> memref<1x16x1024xf32, #tpu.memory_space<vmem>>
    %dma_wait3A_534 = tpu.memref_squeeze %dma_wait3A_533 : memref<1x16x1024xf32, #tpu.memory_space<vmem>> -> memref<16x1024xf32, #tpu.memory_space<vmem>>
    %dma_wait3A_535 = arith.constant 0 : i32
    %dma_wait3A_536 = tpu.memref_slice %arg4[%add3A_528, %dma_wait3A_535] : memref<32768x1024xf32, #tpu.memory_space<hbm>> -> memref<16x1024xf32, #tpu.memory_space<hbm>>
    %dma_wait3A_537 = tpu.memref_slice %arg8[%dma_wait3A_530] : memref<6x!tpu.dma_semaphore, #tpu.memory_space<semaphore_mem>> -> memref<1x!tpu.dma_semaphore, #tpu.memory_space<semaphore_mem>>
    %dma_wait3A_538 = tpu.memref_squeeze %dma_wait3A_537 : memref<1x!tpu.dma_semaphore, #tpu.memory_space<semaphore_mem>> -> memref<!tpu.dma_semaphore, #tpu.memory_space<semaphore_mem>>
    %dma_wait3A_539 = arith.constant 0 : i32
    %dma_wait3A_540 = tpu.memref_slice %arg4[%add3A_528, %dma_wait3A_539] : memref<32768x1024xf32, #tpu.memory_space<hbm>> -> memref<16x1024xf32, #tpu.memory_space<hbm>>
    %dma_wait3A_541 = arith.constant 0 : i32
    %dma_wait3A_542 = arith.constant 0 : i32
    %dma_wait3A_543 = tpu.memref_slice %arg6[%dma_wait3A_529, %dma_wait3A_541, %dma_wait3A_542] : memref<6x16x1024xf32, #tpu.memory_space<vmem>> -> memref<1x16x1024xf32, #tpu.memory_space<vmem>>
    %dma_wait3A_544 = tpu.memref_squeeze %dma_wait3A_543 : memref<1x16x1024xf32, #tpu.memory_space<vmem>> -> memref<16x1024xf32, #tpu.memory_space<vmem>>
    tpu.wait_dma2 semaphore(%dma_wait3A_538 : memref<!tpu.dma_semaphore, #tpu.memory_space<semaphore_mem>>) src(%dma_wait3A_544 : memref<16x1024xf32, #tpu.memory_space<vmem>>) dst(%dma_wait3A_540 : memref<16x1024xf32, #tpu.memory_space<hbm>>)
    %dma_wait3A_545 = arith.constant 62 : i32
    %dma_wait3A_546 = arith.constant 2 : i32
    %dma_wait3A_547 = arith.constant 2 : i32
    %dma_wait3A_548 = arith.constant 0 : i32
    %dma_wait3A_549 = arith.constant 0 : i32
    %dma_wait3A_550 = tpu.memref_slice %arg6[%dma_wait3A_546, %dma_wait3A_548, %dma_wait3A_549] : memref<6x16x1024xf32, #tpu.memory_space<vmem>> -> memref<1x16x1024xf32, #tpu.memory_space<vmem>>
    %dma_wait3A_551 = tpu.memref_squeeze %dma_wait3A_550 : memref<1x16x1024xf32, #tpu.memory_space<vmem>> -> memref<16x1024xf32, #tpu.memory_space<vmem>>
    %dma_wait3A_552 = arith.constant 0 : i32
    %dma_wait3A_553 = tpu.memref_slice %arg5[%dma_wait3A_545, %dma_wait3A_552] : memref<64x16xi32, #tpu.memory_space<vmem>> -> memref<1x16xi32, #tpu.memory_space<vmem>>
    %dma_wait3A_554 = tpu.memref_squeeze %dma_wait3A_553 : memref<1x16xi32, #tpu.memory_space<vmem>> -> memref<16xi32, #tpu.memory_space<vmem>>
    %dma_wait3A_555 = arith.constant 0 : i32
    %dma_wait3A_556 = arith.constant 0 : i32
    %dma_wait3A_557 = tpu.memref_slice %arg2[%dma_wait3A_555, %dma_wait3A_556] : memref<8192x1024xf32, #tpu.memory_space<hbm>> -> memref<8192x1024xf32, #tpu.memory_space<hbm>>
    %dma_wait3A_558 = tpu.memref_slice %arg7[%dma_wait3A_547] : memref<6x!tpu.dma_semaphore, #tpu.memory_space<semaphore_mem>> -> memref<1x!tpu.dma_semaphore, #tpu.memory_space<semaphore_mem>>
    %dma_wait3A_559 = tpu.memref_squeeze %dma_wait3A_558 : memref<1x!tpu.dma_semaphore, #tpu.memory_space<semaphore_mem>> -> memref<!tpu.dma_semaphore, #tpu.memory_space<semaphore_mem>>
    tpu.wait_indirect_dma semaphore(%dma_wait3A_559 : memref<!tpu.dma_semaphore, #tpu.memory_space<semaphore_mem>>) src(%dma_wait3A_557 : memref<8192x1024xf32, #tpu.memory_space<hbm>>) dst(%dma_wait3A_551 : memref<16x1024xf32, #tpu.memory_space<vmem>>)
    %add3A_560 = arith.constant 992 : i32
    %add3A_561 = arith.addi %mul3A_2, %add3A_560 : i32
    %dma_start3A_562 = arith.constant 2 : i32
    %dma_start3A_563 = arith.constant 2 : i32
    %dma_start3A_564 = arith.constant 0 : i32
    %dma_start3A_565 = arith.constant 0 : i32
    %dma_start3A_566 = tpu.memref_slice %arg6[%dma_start3A_562, %dma_start3A_564, %dma_start3A_565] : memref<6x16x1024xf32, #tpu.memory_space<vmem>> -> memref<1x16x1024xf32, #tpu.memory_space<vmem>>
    %dma_start3A_567 = tpu.memref_squeeze %dma_start3A_566 : memref<1x16x1024xf32, #tpu.memory_space<vmem>> -> memref<16x1024xf32, #tpu.memory_space<vmem>>
    %dma_start3A_568 = arith.constant 0 : i32
    %dma_start3A_569 = tpu.memref_slice %arg4[%add3A_561, %dma_start3A_568] : memref<32768x1024xf32, #tpu.memory_space<hbm>> -> memref<16x1024xf32, #tpu.memory_space<hbm>>
    %dma_start3A_570 = tpu.memref_slice %arg8[%dma_start3A_563] : memref<6x!tpu.dma_semaphore, #tpu.memory_space<semaphore_mem>> -> memref<1x!tpu.dma_semaphore, #tpu.memory_space<semaphore_mem>>
    %dma_start3A_571 = tpu.memref_squeeze %dma_start3A_570 : memref<1x!tpu.dma_semaphore, #tpu.memory_space<semaphore_mem>> -> memref<!tpu.dma_semaphore, #tpu.memory_space<semaphore_mem>>
    %dma_start3A_572 = arith.constant 0 : i32
    %dma_start3A_573 = tpu.memref_slice %arg4[%add3A_561, %dma_start3A_572] : memref<32768x1024xf32, #tpu.memory_space<hbm>> -> memref<16x1024xf32, #tpu.memory_space<hbm>>
    %dma_start3A_574 = arith.constant 0 : i32
    %dma_start3A_575 = arith.constant 0 : i32
    %dma_start3A_576 = tpu.memref_slice %arg6[%dma_start3A_562, %dma_start3A_574, %dma_start3A_575] : memref<6x16x1024xf32, #tpu.memory_space<vmem>> -> memref<1x16x1024xf32, #tpu.memory_space<vmem>>
    %dma_start3A_577 = tpu.memref_squeeze %dma_start3A_576 : memref<1x16x1024xf32, #tpu.memory_space<vmem>> -> memref<16x1024xf32, #tpu.memory_space<vmem>>
    tpu.enqueue_dma source(%dma_start3A_577 : memref<16x1024xf32, #tpu.memory_space<vmem>>) target(%dma_start3A_573 : memref<16x1024xf32, #tpu.memory_space<hbm>>) target_semaphore(%dma_start3A_571 : memref<!tpu.dma_semaphore, #tpu.memory_space<semaphore_mem>>)
    %add3A_578 = arith.constant 976 : i32
    %add3A_579 = arith.addi %mul3A_2, %add3A_578 : i32
    %dma_wait3A_580 = arith.constant 1 : i32
    %dma_wait3A_581 = arith.constant 1 : i32
    %dma_wait3A_582 = arith.constant 0 : i32
    %dma_wait3A_583 = arith.constant 0 : i32
    %dma_wait3A_584 = tpu.memref_slice %arg6[%dma_wait3A_580, %dma_wait3A_582, %dma_wait3A_583] : memref<6x16x1024xf32, #tpu.memory_space<vmem>> -> memref<1x16x1024xf32, #tpu.memory_space<vmem>>
    %dma_wait3A_585 = tpu.memref_squeeze %dma_wait3A_584 : memref<1x16x1024xf32, #tpu.memory_space<vmem>> -> memref<16x1024xf32, #tpu.memory_space<vmem>>
    %dma_wait3A_586 = arith.constant 0 : i32
    %dma_wait3A_587 = tpu.memref_slice %arg4[%add3A_579, %dma_wait3A_586] : memref<32768x1024xf32, #tpu.memory_space<hbm>> -> memref<16x1024xf32, #tpu.memory_space<hbm>>
    %dma_wait3A_588 = tpu.memref_slice %arg8[%dma_wait3A_581] : memref<6x!tpu.dma_semaphore, #tpu.memory_space<semaphore_mem>> -> memref<1x!tpu.dma_semaphore, #tpu.memory_space<semaphore_mem>>
    %dma_wait3A_589 = tpu.memref_squeeze %dma_wait3A_588 : memref<1x!tpu.dma_semaphore, #tpu.memory_space<semaphore_mem>> -> memref<!tpu.dma_semaphore, #tpu.memory_space<semaphore_mem>>
    %dma_wait3A_590 = arith.constant 0 : i32
    %dma_wait3A_591 = tpu.memref_slice %arg4[%add3A_579, %dma_wait3A_590] : memref<32768x1024xf32, #tpu.memory_space<hbm>> -> memref<16x1024xf32, #tpu.memory_space<hbm>>
    %dma_wait3A_592 = arith.constant 0 : i32
    %dma_wait3A_593 = arith.constant 0 : i32
    %dma_wait3A_594 = tpu.memref_slice %arg6[%dma_wait3A_580, %dma_wait3A_592, %dma_wait3A_593] : memref<6x16x1024xf32, #tpu.memory_space<vmem>> -> memref<1x16x1024xf32, #tpu.memory_space<vmem>>
    %dma_wait3A_595 = tpu.memref_squeeze %dma_wait3A_594 : memref<1x16x1024xf32, #tpu.memory_space<vmem>> -> memref<16x1024xf32, #tpu.memory_space<vmem>>
    tpu.wait_dma2 semaphore(%dma_wait3A_589 : memref<!tpu.dma_semaphore, #tpu.memory_space<semaphore_mem>>) src(%dma_wait3A_595 : memref<16x1024xf32, #tpu.memory_space<vmem>>) dst(%dma_wait3A_591 : memref<16x1024xf32, #tpu.memory_space<hbm>>)
    %dma_wait3A_596 = arith.constant 63 : i32
    %dma_wait3A_597 = arith.constant 3 : i32
    %dma_wait3A_598 = arith.constant 3 : i32
    %dma_wait3A_599 = arith.constant 0 : i32
    %dma_wait3A_600 = arith.constant 0 : i32
    %dma_wait3A_601 = tpu.memref_slice %arg6[%dma_wait3A_597, %dma_wait3A_599, %dma_wait3A_600] : memref<6x16x1024xf32, #tpu.memory_space<vmem>> -> memref<1x16x1024xf32, #tpu.memory_space<vmem>>
    %dma_wait3A_602 = tpu.memref_squeeze %dma_wait3A_601 : memref<1x16x1024xf32, #tpu.memory_space<vmem>> -> memref<16x1024xf32, #tpu.memory_space<vmem>>
    %dma_wait3A_603 = arith.constant 0 : i32
    %dma_wait3A_604 = tpu.memref_slice %arg5[%dma_wait3A_596, %dma_wait3A_603] : memref<64x16xi32, #tpu.memory_space<vmem>> -> memref<1x16xi32, #tpu.memory_space<vmem>>
    %dma_wait3A_605 = tpu.memref_squeeze %dma_wait3A_604 : memref<1x16xi32, #tpu.memory_space<vmem>> -> memref<16xi32, #tpu.memory_space<vmem>>
    %dma_wait3A_606 = arith.constant 0 : i32
    %dma_wait3A_607 = arith.constant 0 : i32
    %dma_wait3A_608 = tpu.memref_slice %arg2[%dma_wait3A_606, %dma_wait3A_607] : memref<8192x1024xf32, #tpu.memory_space<hbm>> -> memref<8192x1024xf32, #tpu.memory_space<hbm>>
    %dma_wait3A_609 = tpu.memref_slice %arg7[%dma_wait3A_598] : memref<6x!tpu.dma_semaphore, #tpu.memory_space<semaphore_mem>> -> memref<1x!tpu.dma_semaphore, #tpu.memory_space<semaphore_mem>>
    %dma_wait3A_610 = tpu.memref_squeeze %dma_wait3A_609 : memref<1x!tpu.dma_semaphore, #tpu.memory_space<semaphore_mem>> -> memref<!tpu.dma_semaphore, #tpu.memory_space<semaphore_mem>>
    tpu.wait_indirect_dma semaphore(%dma_wait3A_610 : memref<!tpu.dma_semaphore, #tpu.memory_space<semaphore_mem>>) src(%dma_wait3A_608 : memref<8192x1024xf32, #tpu.memory_space<hbm>>) dst(%dma_wait3A_602 : memref<16x1024xf32, #tpu.memory_space<vmem>>)
    %add3A_611 = arith.constant 1008 : i32
    %add3A_612 = arith.addi %mul3A_2, %add3A_611 : i32
    %dma_start3A_613 = arith.constant 3 : i32
    %dma_start3A_614 = arith.constant 3 : i32
    %dma_start3A_615 = arith.constant 0 : i32
    %dma_start3A_616 = arith.constant 0 : i32
    %dma_start3A_617 = tpu.memref_slice %arg6[%dma_start3A_613, %dma_start3A_615, %dma_start3A_616] : memref<6x16x1024xf32, #tpu.memory_space<vmem>> -> memref<1x16x1024xf32, #tpu.memory_space<vmem>>
    %dma_start3A_618 = tpu.memref_squeeze %dma_start3A_617 : memref<1x16x1024xf32, #tpu.memory_space<vmem>> -> memref<16x1024xf32, #tpu.memory_space<vmem>>
    %dma_start3A_619 = arith.constant 0 : i32
    %dma_start3A_620 = tpu.memref_slice %arg4[%add3A_612, %dma_start3A_619] : memref<32768x1024xf32, #tpu.memory_space<hbm>> -> memref<16x1024xf32, #tpu.memory_space<hbm>>
    %dma_start3A_621 = tpu.memref_slice %arg8[%dma_start3A_614] : memref<6x!tpu.dma_semaphore, #tpu.memory_space<semaphore_mem>> -> memref<1x!tpu.dma_semaphore, #tpu.memory_space<semaphore_mem>>
    %dma_start3A_622 = tpu.memref_squeeze %dma_start3A_621 : memref<1x!tpu.dma_semaphore, #tpu.memory_space<semaphore_mem>> -> memref<!tpu.dma_semaphore, #tpu.memory_space<semaphore_mem>>
    %dma_start3A_623 = arith.constant 0 : i32
    %dma_start3A_624 = tpu.memref_slice %arg4[%add3A_612, %dma_start3A_623] : memref<32768x1024xf32, #tpu.memory_space<hbm>> -> memref<16x1024xf32, #tpu.memory_space<hbm>>
    %dma_start3A_625 = arith.constant 0 : i32
    %dma_start3A_626 = arith.constant 0 : i32
    %dma_start3A_627 = tpu.memref_slice %arg6[%dma_start3A_613, %dma_start3A_625, %dma_start3A_626] : memref<6x16x1024xf32, #tpu.memory_space<vmem>> -> memref<1x16x1024xf32, #tpu.memory_space<vmem>>
    %dma_start3A_628 = tpu.memref_squeeze %dma_start3A_627 : memref<1x16x1024xf32, #tpu.memory_space<vmem>> -> memref<16x1024xf32, #tpu.memory_space<vmem>>
    tpu.enqueue_dma source(%dma_start3A_628 : memref<16x1024xf32, #tpu.memory_space<vmem>>) target(%dma_start3A_624 : memref<16x1024xf32, #tpu.memory_space<hbm>>) target_semaphore(%dma_start3A_622 : memref<!tpu.dma_semaphore, #tpu.memory_space<semaphore_mem>>)
    %add3A_629 = arith.constant 992 : i32
    %add3A_630 = arith.addi %mul3A_2, %add3A_629 : i32
    %dma_wait3A_631 = arith.constant 2 : i32
    %dma_wait3A_632 = arith.constant 2 : i32
    %dma_wait3A_633 = arith.constant 0 : i32
    %dma_wait3A_634 = arith.constant 0 : i32
    %dma_wait3A_635 = tpu.memref_slice %arg6[%dma_wait3A_631, %dma_wait3A_633, %dma_wait3A_634] : memref<6x16x1024xf32, #tpu.memory_space<vmem>> -> memref<1x16x1024xf32, #tpu.memory_space<vmem>>
    %dma_wait3A_636 = tpu.memref_squeeze %dma_wait3A_635 : memref<1x16x1024xf32, #tpu.memory_space<vmem>> -> memref<16x1024xf32, #tpu.memory_space<vmem>>
    %dma_wait3A_637 = arith.constant 0 : i32
    %dma_wait3A_638 = tpu.memref_slice %arg4[%add3A_630, %dma_wait3A_637] : memref<32768x1024xf32, #tpu.memory_space<hbm>> -> memref<16x1024xf32, #tpu.memory_space<hbm>>
    %dma_wait3A_639 = tpu.memref_slice %arg8[%dma_wait3A_632] : memref<6x!tpu.dma_semaphore, #tpu.memory_space<semaphore_mem>> -> memref<1x!tpu.dma_semaphore, #tpu.memory_space<semaphore_mem>>
    %dma_wait3A_640 = tpu.memref_squeeze %dma_wait3A_639 : memref<1x!tpu.dma_semaphore, #tpu.memory_space<semaphore_mem>> -> memref<!tpu.dma_semaphore, #tpu.memory_space<semaphore_mem>>
    %dma_wait3A_641 = arith.constant 0 : i32
    %dma_wait3A_642 = tpu.memref_slice %arg4[%add3A_630, %dma_wait3A_641] : memref<32768x1024xf32, #tpu.memory_space<hbm>> -> memref<16x1024xf32, #tpu.memory_space<hbm>>
    %dma_wait3A_643 = arith.constant 0 : i32
    %dma_wait3A_644 = arith.constant 0 : i32
    %dma_wait3A_645 = tpu.memref_slice %arg6[%dma_wait3A_631, %dma_wait3A_643, %dma_wait3A_644] : memref<6x16x1024xf32, #tpu.memory_space<vmem>> -> memref<1x16x1024xf32, #tpu.memory_space<vmem>>
    %dma_wait3A_646 = tpu.memref_squeeze %dma_wait3A_645 : memref<1x16x1024xf32, #tpu.memory_space<vmem>> -> memref<16x1024xf32, #tpu.memory_space<vmem>>
    tpu.wait_dma2 semaphore(%dma_wait3A_640 : memref<!tpu.dma_semaphore, #tpu.memory_space<semaphore_mem>>) src(%dma_wait3A_646 : memref<16x1024xf32, #tpu.memory_space<vmem>>) dst(%dma_wait3A_642 : memref<16x1024xf32, #tpu.memory_space<hbm>>)
    %add3A_647 = arith.constant 1008 : i32
    %add3A_648 = arith.addi %mul3A_2, %add3A_647 : i32
    %dma_wait3A_649 = arith.constant 3 : i32
    %dma_wait3A_650 = arith.constant 3 : i32
    %dma_wait3A_651 = arith.constant 0 : i32
    %dma_wait3A_652 = arith.constant 0 : i32
    %dma_wait3A_653 = tpu.memref_slice %arg6[%dma_wait3A_649, %dma_wait3A_651, %dma_wait3A_652] : memref<6x16x1024xf32, #tpu.memory_space<vmem>> -> memref<1x16x1024xf32, #tpu.memory_space<vmem>>
    %dma_wait3A_654 = tpu.memref_squeeze %dma_wait3A_653 : memref<1x16x1024xf32, #tpu.memory_space<vmem>> -> memref<16x1024xf32, #tpu.memory_space<vmem>>
    %dma_wait3A_655 = arith.constant 0 : i32
    %dma_wait3A_656 = tpu.memref_slice %arg4[%add3A_648, %dma_wait3A_655] : memref<32768x1024xf32, #tpu.memory_space<hbm>> -> memref<16x1024xf32, #tpu.memory_space<hbm>>
    %dma_wait3A_657 = tpu.memref_slice %arg8[%dma_wait3A_650] : memref<6x!tpu.dma_semaphore, #tpu.memory_space<semaphore_mem>> -> memref<1x!tpu.dma_semaphore, #tpu.memory_space<semaphore_mem>>
    %dma_wait3A_658 = tpu.memref_squeeze %dma_wait3A_657 : memref<1x!tpu.dma_semaphore, #tpu.memory_space<semaphore_mem>> -> memref<!tpu.dma_semaphore, #tpu.memory_space<semaphore_mem>>
    %dma_wait3A_659 = arith.constant 0 : i32
    %dma_wait3A_660 = tpu.memref_slice %arg4[%add3A_648, %dma_wait3A_659] : memref<32768x1024xf32, #tpu.memory_space<hbm>> -> memref<16x1024xf32, #tpu.memory_space<hbm>>
    %dma_wait3A_661 = arith.constant 0 : i32
    %dma_wait3A_662 = arith.constant 0 : i32
    %dma_wait3A_663 = tpu.memref_slice %arg6[%dma_wait3A_649, %dma_wait3A_661, %dma_wait3A_662] : memref<6x16x1024xf32, #tpu.memory_space<vmem>> -> memref<1x16x1024xf32, #tpu.memory_space<vmem>>
    %dma_wait3A_664 = tpu.memref_squeeze %dma_wait3A_663 : memref<1x16x1024xf32, #tpu.memory_space<vmem>> -> memref<16x1024xf32, #tpu.memory_space<vmem>>
    tpu.wait_dma2 semaphore(%dma_wait3A_658 : memref<!tpu.dma_semaphore, #tpu.memory_space<semaphore_mem>>) src(%dma_wait3A_664 : memref<16x1024xf32, #tpu.memory_space<vmem>>) dst(%dma_wait3A_660 : memref<16x1024xf32, #tpu.memory_space<hbm>>)
    return
  }
}

</mosaic_0001>

<sc_bundles>
// kernel: kernel.3.cloned.1.call-start
scs
__scs_entry_jumppad:
0x0: {  	(pc) =	sbr.rel $0x88, $3  }
0x1: {  	(tag) =	ssettag $0x0;
	lr =	simm.s32 $0x1  }
0x2: {  	[smem:$0x3F9F] =	sst lr;
	_ =	strace $0xD0000000  }
0x3: {  	_ = 	snop  }
0x4: {  	_ = 	snop  }
0x5: {  	_ = 	snop  }
0x6: {  	_ = 	snop  }
0x7: {  	_ = 	snop  }
__scs_overlays_trampoline_lowered:
0x8: {  	[smem:$0x3FAE] =	sst s0  }
0x9: {  	[smem:$0x3FAF] =	sst s1  }
0xa: {  	[smem:$0x3FB0] =	sst s2  }
0xb: {  	[smem:$0x3FB1] =	sst s3  }
0xc: {  	[smem:$0x3FB2] =	sst s4  }
0xd: {  	[smem:$0x3FB3] =	sst s5  }
0xe: {  	[smem:$0x3FB4] =	sst s6  }
0xf: {  	[smem:$0x3FB5] =	sst s7  }
0x10: {  	[smem:$0x3FB6] =	sst s8  }
0x11: {  	[smem:$0x3FB7] =	sst s9;
	s0 =	simm.s32 @!p0 $0x0  }
0x12: {  	s1 =	sld [smem:$0x3F9D];
	s0 =	simm.s32 @p0 $0x1  }
0x13: {  	[smem:$0x3FB8] =	sst s0;
	s0 =	simm.s32 @!p1 $0x0  }
0x14: {  	s2 =	sld [smem:$0x3F9C];
	s0 =	simm.s32 @p1 $0x1  }
0x15: {  	[smem:$0x3FB9] =	sst s0;
	s0 =	simm.s32 @!p2 $0x0  }
0x16: {  	s3 =	sld [smem:$0x3FDB];
	s0 =	simm.s32 @p2 $0x1  }
0x17: {  	s4 =	simm.s32 $0x1BF5;
	[smem:$0x3FBB] =	sst s0  }
0x18: {  	s0 =	sld [smem:$0x3F9E];
	_ =	swait.ge [sflag:s4], $0x0  }
0x19: {  	s7 =	sld [smem:$0x3F9F]  }
0x1a: {  	s8 =	sadd.s32 $0xFFFFE003, lr  }
0x1b: {  	s9 =	sadd.s32 $0xFFFFFEF7, lr;
	s5 =	simm.s32 $0xFFFFFFFF;
	p2 =	slt.u32 s8, $0xFFFFF086  }
0x1c: {  	p1 =	slt.u32 s9, $0xF7A;
	s5 =	simm.s32 @!p2 $0x0  }
0x1d: {  	s5 =	simm.s32 @p1 $0x1;
	p0 =	seq.s32 s7, s2  }
0x1e: {  	s7 =	smul.u32 @!p0 $0xF7A, s2;
	p2 =	seq.s32 @!p0 s5, $0x0  }
0x1f: {  	s9 =	smul.u32 $0xF7A, s1;
	s8 =	simm.s32 @!p0 $0x1BF5;
	p2 =	por !p2, p0  }
0x20: {  	[sflag:s8] =	ssyncset.s32 @!p0 $0xFFFFF086;
	s6 =	sadd.s32 @!p0 s3, s7;
	s7 =	simm.s32 @!p0 $0x108  }
0x21: {  	s3 =	sadd.s32 s3, s9;
	s6 =	sadd.s32 @!p0 $0x88, s6;
	s7 =	simm.s32 @p2 $0x1082  }
0x22: {  	[simem:s7], [sflag:s8] =	dma.local @!p0 [hbm:s6], $0xF7A  }
0x23: {  	s9 =	sor.u32 $0xD0000000, s2;
	s6 =	simm.s32 $0x108;
	_ =	swait.ge @!p0 [sflag:s8], $0x0  }
0x24: {  	s3 =	sadd.s32 $0x88, s3;
	s6 =	simm.s32 @!p1 $0x1082;
	[sflag:s4] =	ssyncset.s32 $0xFFFFF086  }
0x25: {  	[simem:s6], [sflag:s4] =	dma.local [hbm:s3], $0xF7A  }
0x26: {  	[smem:$0x3F9F] =	sst s1;
	(tag) =	ssettag s2;
	_ =	strace s9  }
0x27: {  	s1 =	sld [smem:$0x3FAF]  }
0x28: {  	s2 =	sld [smem:$0x3FB0]  }
0x29: {  	s4 =	sld [smem:$0x3FB2]  }
0x2a: {  	p0 =	seq.s32 s5, $0x0;
	s5 =	sld [smem:$0x3FB3]  }
0x2b: {  	s6 =	sld [smem:$0x3FB4]  }
0x2c: {  	s7 =	sld [smem:$0x3FB5]  }
0x2d: {  	s3 =	simm.s32 $0x108;
	s8 =	sld [smem:$0x3FB6]  }
0x2e: {  	s3 =	simm.s32 @!p0 $0x1082;
	s9 =	sld [smem:$0x3FB7]  }
0x2f: {  	lr =	sadd.s32 s0, s3;
	s0 =	sld [smem:$0x3FAE]  }
0x30: {  	s3 =	sld [smem:$0x3FB1]  }
0x31: {  	[smem:$0x3FBA] =	sst s10  }
0x32: {  	s10 =	sld [smem:$0x3FB8];
	_ =	sdelay $0x3  }
0x33: {  	p0 =	seq.s32 s10, $0x1;
	s10 =	sld [smem:$0x3FBA];
	_ =	sdelay $0x3  }
0x34: {  	[smem:$0x3FBA] =	sst s10  }
0x35: {  	s10 =	sld [smem:$0x3FB9];
	_ =	sdelay $0x3  }
0x36: {  	p1 =	seq.s32 s10, $0x1;
	s10 =	sld [smem:$0x3FBA];
	_ =	sdelay $0x3  }
0x37: {  	[smem:$0x3FBA] =	sst s10  }
0x38: {  	s10 =	sld [smem:$0x3FBB]  }
0x39: {  	_ = 	snop;
	(pc) =	sbr.ind lr, $3  }
0x3a: {  	_ = 	snop  }
0x3b: {  	_ = 	snop  }
0x3c: {  	p2 =	seq.s32 s10, $0x1;
	s10 =	sld [smem:$0x3FBA]  }
0x3d: {  	_ =	shalt  }
0x3e: {  	_ =	shalt  }
0x3f: {  	_ =	shalt  }
0x40: {  	_ =	shalt  }
0x41: {  	_ =	shalt  }
0x42: {  	_ =	shalt  }
0x43: {  	_ =	shalt  }
0x44: {  	_ =	shalt  }
0x45: {  	_ =	shalt  }
0x46: {  	_ =	shalt  }
0x47: {  	_ =	shalt  }
0x48: {  	_ =	shalt  }
0x49: {  	_ =	shalt  }
0x4a: {  	_ =	shalt  }
0x4b: {  	_ =	shalt  }
0x4c: {  	_ =	shalt  }
0x4d: {  	_ =	shalt  }
0x4e: {  	_ =	shalt  }
0x4f: {  	_ =	shalt  }
0x50: {  	_ =	shalt  }
0x51: {  	_ =	shalt  }
0x52: {  	_ =	shalt  }
0x53: {  	_ =	shalt  }
0x54: {  	_ =	shalt  }
0x55: {  	_ =	shalt  }
0x56: {  	_ =	shalt  }
0x57: {  	_ =	shalt  }
0x58: {  	_ =	shalt  }
0x59: {  	_ =	shalt  }
0x5a: {  	_ =	shalt  }
0x5b: {  	_ =	shalt  }
0x5c: {  	_ =	shalt  }
0x5d: {  	_ =	shalt  }
0x5e: {  	_ =	shalt  }
0x5f: {  	_ =	shalt  }
0x60: {  	_ =	shalt  }
0x61: {  	_ =	shalt  }
0x62: {  	_ =	shalt  }
0x63: {  	_ =	shalt  }
0x64: {  	_ =	shalt  }
0x65: {  	_ =	shalt  }
0x66: {  	_ =	shalt  }
0x67: {  	_ =	shalt  }
0x68: {  	_ =	shalt  }
0x69: {  	_ =	shalt  }
0x6a: {  	_ =	shalt  }
0x6b: {  	_ =	shalt  }
0x6c: {  	_ =	shalt  }
0x6d: {  	_ =	shalt  }
0x6e: {  	_ =	shalt  }
0x6f: {  	_ =	shalt  }
0x70: {  	_ =	shalt  }
0x71: {  	_ =	shalt  }
0x72: {  	_ =	shalt  }
0x73: {  	_ =	shalt  }
0x74: {  	_ =	shalt  }
0x75: {  	_ =	shalt  }
0x76: {  	_ =	shalt  }
0x77: {  	_ =	shalt  }
0x78: {  	_ =	shalt  }
0x79: {  	_ =	shalt  }
0x7a: {  	_ =	shalt  }
0x7b: {  	_ =	shalt  }
0x7c: {  	_ =	shalt  }
0x7d: {  	_ =	shalt  }
0x7e: {  	_ =	shalt  }
0x7f: {  	_ =	shalt  }
0x80: {  	_ =	shalt  }
0x81: {  	_ =	shalt  }
0x82: {  	_ =	shalt  }
0x83: {  	_ =	shalt  }
0x84: {  	_ =	shalt  }
0x85: {  	_ =	shalt  }
0x86: {  	_ =	shalt  }
0x87: {  	_ =	shalt  }
.Lfunc_end0:
.L_simem_size_0:
called_computation_lowered:
.L_overlay_start_0:
0x88: {  	s2 =	sld [smem:$0x3FD9]  }
0x89: {  	s3 =	sld [smem:$0x3FFE];
	_ =	sdelay $0x1  }
0x8a: {  	s1 =	srdreg.scid  }
0x8b: {  	s0 =	sand.u32 $0x1, s1  }
0x8c: {  	s17 =	sshll.u32 s0, $0xA;
	s2 =	sadd.s32 s3, s2  }
0x8d: {  	s2 =	sadd.s32 s2, s17  }
0x8e: {  	[smem:$0x3FC6] =	sst s2  }
0x8f: {  	_ = 	snop  }
0x90: {  	s2 =	sld [smem:$0x3FC8]  }
0x91: {  	s18 =	sld [smem:$0x3FD0];
	(tm) =	ssettm $0x1  }
0x92: {  	s4 =	sld [smem:$0x3FFB];
	_ =	sdelay $0x3  }
0x93: {  	_ =	strace s4  }
0x94: {  	s4 =	sld [smem:$0x3FFC];
	_ =	sdelay $0x3  }
0x95: {  	_ =	strace s4  }
0x96: {  	s4 =	sld [smem:$0x3FFD];
	_ =	sdelay $0x3  }
0x97: {  	_ =	strace s4  }
0x98: {  	_ =	strace $0x8FFFFFFF  }
0x99: {  	s19 =	sld [smem:$0x3FDB];
	_ =	sdelay $0x1  }
0x9a: {  	s5 =	simm.s32 $_scs_section_size  }
0x9b: {  	s6 =	simm.s32 $_size__tile_overlayer_lowered;
	s7 =	simm.s32 $_tile_overlayer_lowered  }
0x9c: {  	s22 =	simm.s32 $0x1BFF;
	s21 =	sshll.u32 s7, $0x1;
	s4 =	sadd.s32 s5, s19  }
0x9d: {  	s8 =	simm.s32 $0x0;
	s20 =	sshll.u32 s6, $0x1;
	s6 =	sadd.s32 s21, s4  }
0x9e: {  	[timem:s8], [sflag:s22] =	dma.local [hbm:s6], s20  }
0x9f: {  	_ =	swait.ge [sflag:s22], s20  }
0xa0: {  	s5 =	ssub.s32 $0x0, s20;
	[sflag:s22] =	ssyncset.done $0x0  }
0xa1: {  	[sflag:s22] =	ssyncadd.s32 s5;
	_ =	sdelay $0x1  }
0xa2: {  	s23 =	simm.s32 $0x1B8B  }
0xa3: {  	_ =	swait.ge [sflag:s23], $0x1  }
0xa4: {  	[sflag:s23] =	ssyncset.done $0x0  }
0xa5: {  	s25 =	simm.s32 $0x1B8E;
	s24 =	sld [smem:$0x3FFE];
	[sflag:s23] =	ssyncadd.s32 $0xFFFFFFFF  }
0xa6: {  	s26 =	simm.s32 $execute0_lowered;
	[smem:$0x3FD2] =	sst s25  }
0xa7: {  	s6 =	sshll.u32 s26, $0x1;
	_ =	strace $0x80000046;
	[dreg:$0x1] =	wrdreg $0xFFFFFFFF  }
0xa8: {  	s28 =	simm.s32 $_size_execute0_lowered;
	s4 =	sadd.s32 s4, s6;
	[dreg:$0x0] =	wrdreg $0x0  }
0xa9: {  	s6 =	sshll.u32 s28, $0x1;
	[dreg:$0x2] =	wrdreg s4  }
0xaa: {  	[dreg:$0x3] =	wrdreg s6  }
0xab: {  	[dreg:$0x4] =	wrdreg $0xC0  }
0xac: {  	_ =	task [dreg:s8], $0x5FFFF  }
0xad: {  	[dreg:$0x1] =	wrdreg $0xFFFFFFFF  }
0xae: {  	[dreg:$0x0] =	wrdreg $0x60  }
0xaf: {  	[dreg:$0x2] =	wrdreg s2  }
0xb0: {  	[dreg:$0x3] =	wrdreg s24  }
0xb1: {  	[dreg:$0x4] =	wrdreg s18  }
0xb2: {  	[dreg:$0x5] =	wrdreg $0x9  }
0xb3: {  	_ =	task.clear_ibuf [dreg:s8], $0x6FFFF;
	_ =	strace $0x90000046  }
0xb4: {  	s29 =	simm.s32 $0x9;
	_ =	strace $0x80000048  }
0xb5: {  	_ =	swait.ge [sflag:s29], $0x1  }
0xb6: {  	[sflag:s29] =	ssyncadd.s32 $0xFFFFFFFF  }
0xb7: {  	_ =	strace $0x90000048  }
0xb8: {  	_ =	sfence  }
0xb9: {  	s30 =	sld [smem:$0x0];
	_ =	sdelay $0x2  }
0xba: {  	s31 =	sshll.u32 s1, $0xD;
	s1 =	sshrl.u32 s1, $0x2  }
0xbb: {  	s3 =	sand.u32 $0x4000, s31;
	s1 =	sadd.s32 s1, s30  }
0xbc: {  	s0 =	sor.u32 s3, s0;
	s1 =	sshll.u32 s1, $0x11  }
0xbd: {  	s0 =	sor.u32 s1, s0  }
0xbe: {  	s0 =	sadd.s32 $0x8F2B, s0  }
0xbf: {  	[sflag:s0] =	ssyncadd.remote.s32 $0x1  }
0xc0: {  	_ =	sfence.sel $0xFFFF  }
0xc1: {  	[dreg:$0x0] =	wrdreg $0xFFFFFFFF;
	(pc) =	sbr.abs _section_cstart, $3  }
0xc2: {  	[dreg:$0x1] =	wrdreg $0xFFFFFFFF  }
0xc3: {  	_ =	task.clear_ibuf [dreg:s8], $0x2FFFF;
	_ =	strace $0x9FFFFFFF  }
0xc4: {  	(tm) =	ssettm $0x7FFFFFFF  }
0xc5: {  	_ =	shalt  }
tec
execute0_lowered:
.L_overlay_start_1:
0x0: {  	(tag) =	ssettag $0x1  }
0x1: {  	s1 =	rddreg [dreg:$0x0]  }
0x2: {  	s0 =	rddreg [dreg:$0x1];
	s2 =	srdreg.scid  }
0x3: {  	s9 =	stileid.u32;
	s4 =	rddreg [dreg:$0x2]  }
0x4: {  	s3 =	simm.s32 $0x0;
	s11 =	simm.s32 $0xA000;
	s29 =	simm.s32 $0xE000  }
0x5: {  	s28 =	simm.s32 $0x12000;
	s31 =	simm.s32 $0x12800;
	s12 =	simm.s32 $0x16000  }
0x6: {  	s13 =	simm.s32 $0x6;
	s2 =	sand.u32 $0x1, s2;
	s5 =	sshll.u32 s9, $0x1  }
0x7: {  	s30 =	simm.s32 $0xC;
	[smem:$0x7FF] =	sst s3;
	s5 =	sor.u32 s2, s5  }
0x8: {  	s8 =	sadd.s32 $0x300, s1;
	s6 =	sshll.u32 s5, $0xA;
	s16 =	sshll.u32 s5, $0x11  }
0x9: {  	s23 =	sshll.u32 s9, $0x12;
	s0 =	sadd.s32 s6, s0;
	s10 =	sadd.s32 s4, s16  }
0xa: {  	_ =	strace $0x80000047;
	s0 =	sadd.s32 $0x400, s0;
	[dreg:$0x6] =	wrdreg s10  }
0xb: {  	s9 =	simm.s32 $0x8;
	s17 =	sadd.s32 $0x1C000, s10;
	[dreg:$0x5] =	wrdreg s0  }
0xc: {  	s7 =	ssub.s32 $0x2, s2;
	s18 =	sadd.s32 $0x1C800, s10;
	[dreg:$0x8] =	wrdreg s17  }
0xd: {  	s2 =	sshll.u32 s2, $0x11;
	s19 =	sadd.s32 $0x1D000, s10;
	[dreg:$0x9] =	wrdreg s18  }
0xe: {  	s15 =	sshrl.u32 s7, $0x1;
	s20 =	sadd.s32 $0x1D800, s10;
	[dreg:$0xa] =	wrdreg s19  }
0xf: {  	s5 =	sadd.s32 $0x100, s1;
	s21 =	sadd.s32 $0x1E000, s10;
	[dreg:$0xb] =	wrdreg s20  }
0x10: {  	s7 =	ssub.s32 s7, s15;
	s22 =	sadd.s32 $0x1E800, s10;
	[dreg:$0xc] =	wrdreg s21  }
0x11: {  	s6 =	sadd.s32 $0x200, s1;
	s24 =	sadd.s32 $0x1F000, s10;
	[dreg:$0xd] =	wrdreg s22  }
0x12: {  	s15 =	simm.s32 $0x13800;
	s25 =	sadd.s32 $0x1F800, s10;
	[dreg:$0xe] =	wrdreg s24  }
0x13: {  	s16 =	simm.s32 $0x14800;
	s26 =	smax.u32 s7, $0x1;
	[dreg:$0xf] =	wrdreg s25  }
0x14: {  	s7 =	simm.s32 $0x15800;
	s0 =	sadd.s32 $0x1B800, s10;
	[dreg:$0x10] =	wrdreg s26  }
0x15: {  	s26 =	simm.s32 $0x6000;
	s24 =	simm.s32 $0x13000;
	s20 =	simm.s32 $0x15000  }
0x16: {  	s17 =	simm.s32 $0x2;
	s18 =	simm.s32 $0x3;
	s10 =	simm.s32 $0x4  }
0x17: {  	s19 =	simm.s32 $0x9;
	s21 =	simm.s32 $0x5;
	s22 =	simm.s32 $0xA  }
0x18: {  	v2 =	vlaneseq.u32;
	s25 =	simm.s32 $0x0;
	[dreg:$0x7] =	wrdreg s0;
	s0 =	sadd.s32 s23, s4  }
0x19: {  	vm0 =	vmmov $0xffff;
	v1 =	vshrl.u32 v2, $0x3;
	s4 =	simm.s32 $0x7;
	s23 =	simm.s32 $0xB;
	s0 =	sadd.s32 s2, s0  }
0x1a: {  	v0 =	vand.u32 $0x7, v2;
	v2 =	vor.u32 $0x8, v2;
	v1 =	vmul.u32 $0x8, v1;
	s2 =	simm.s32 $0x14000;
	[dreg:$0x4] =	wrdreg s0;
	s0 =	simm.s32 $0x1  }
.LBB2_1:
0x1b: {  	[dreg:$0x11] =	wrdreg s25  }
0x1c: {  	s14 =	rddreg [dreg:$0x5];
	s25 =	simm.s32 $0xD  }
0x1d: {  	[tilespmem:s3], [sflag:$0xD] =	stream.linear.gather [hbm4b:s14+s3], $0x2000, $0x38;
	[tilespmem:$0x1A000] =	vst v63  }
0x1e: {  	_ =	swait.ge [sflag:s25], $0x2000  }
0x1f: {  	[sflag:s25] =	ssyncset.done $0x0  }
0x20: {  	[sflag:s25] =	ssyncadd.s32 $0xFFFFE000  }
0x21: {  	v3 =	vld [tilespmem:$0x0];
	_ =	sdelay $0x4  }
0x22: {  	v4 =	vshll.u32 v3, $0x3  }
0x23: {  	v3 =	vand.u32 $0x7, v3;
	v4 =	vand.u32 $0xFFFFFFC0, v4  }
0x24: {  	v3 =	vor.u32 v3, v4  }
0x25: {  	v4 =	vperm.xlane v3, v0;
	_ =	sdelay $0x1  }
0x26: {  	v4 =	vadd.s32 v1, v4;
	_ =	sdelay $0x3  }
0x27: {  	s25 =	simm.s32 $0x2000  }
0x28: {  	[tilespmem:s25], [sflag:$0x1] =	stream.indirect_vreg.gather [hbm4b:s1+s3], $0x80, v4, vm0, $0xb8;
	[tilespmem:$0x1A000] =	vst v63  }
0x29: {  	s14 =	simm.s32 $0x2800;
	v3 =	vperm.xlane v3, v2  }
0x2a: {  	[tilespmem:s14], [sflag:$0x1] =	stream.indirect_vreg.gather [hbm4b:s5+s3], $0x80, v4, vm0, $0xb8;
	[tilespmem:$0x1A000] =	vst v63  }
0x2b: {  	v3 =	vadd.s32 v1, v3;
	s14 =	simm.s32 $0x3000  }
0x2c: {  	[tilespmem:s14], [sflag:$0x1] =	stream.indirect_vreg.gather [hbm4b:s6+s3], $0x80, v4, vm0, $0xb8;
	[tilespmem:$0x1A000] =	vst v63  }
0x2d: {  	s14 =	simm.s32 $0x3800  }
0x2e: {  	[tilespmem:s14], [sflag:$0x1] =	stream.indirect_vreg.gather [hbm4b:s8+s3], $0x80, v4, vm0, $0xb8;
	[tilespmem:$0x1A000] =	vst v63  }
0x2f: {  	s14 =	simm.s32 $0x4000  }
0x30: {  	[tilespmem:s14], [sflag:$0x1] =	stream.indirect_vreg.gather [hbm4b:s1+s3], $0x80, v3, vm0, $0xb8;
	[tilespmem:$0x1A000] =	vst v63  }
0x31: {  	s14 =	simm.s32 $0x4800  }
0x32: {  	[tilespmem:s14], [sflag:$0x1] =	stream.indirect_vreg.gather [hbm4b:s5+s3], $0x80, v3, vm0, $0xb8;
	[tilespmem:$0x1A000] =	vst v63  }
0x33: {  	s14 =	simm.s32 $0x5000  }
0x34: {  	[tilespmem:s14], [sflag:$0x1] =	stream.indirect_vreg.gather [hbm4b:s6+s3], $0x80, v3, vm0, $0xb8;
	[tilespmem:$0x1A000] =	vst v63  }
0x35: {  	s14 =	simm.s32 $0x5800  }
0x36: {  	[tilespmem:s14], [sflag:$0x1] =	stream.indirect_vreg.gather [hbm4b:s8+s3], $0x80, v3, vm0, $0xb8;
	[tilespmem:$0x1A000] =	vst v63  }
0x37: {  	v3 =	vld [tilespmem:$0x80];
	_ =	sdelay $0x4  }
0x38: {  	v59 =	vshll.u32 v3, $0x3  }
0x39: {  	v3 =	vand.u32 $0x7, v3;
	v4 =	vand.u32 $0xFFFFFFC0, v59  }
0x3a: {  	v3 =	vor.u32 v3, v4  }
0x3b: {  	v4 =	vperm.xlane v3, v0;
	_ =	sdelay $0x1  }
0x3c: {  	v4 =	vadd.s32 v1, v4;
	_ =	sdelay $0x4  }
0x3d: {  	[tilespmem:s26], [sflag:$0x2] =	stream.indirect_vreg.gather [hbm4b:s1+s3], $0x80, v4, vm0, $0xb8;
	[tilespmem:$0x1A000] =	vst v63  }
0x3e: {  	v3 =	vperm.xlane v3, v2;
	s26 =	simm.s32 $0x6800  }
0x3f: {  	[tilespmem:s26], [sflag:$0x2] =	stream.indirect_vreg.gather [hbm4b:s5+s3], $0x80, v4, vm0, $0xb8;
	[tilespmem:$0x1A000] =	vst v63  }
0x40: {  	v3 =	vadd.s32 v1, v3;
	s26 =	simm.s32 $0x7000  }
0x41: {  	[tilespmem:s26], [sflag:$0x2] =	stream.indirect_vreg.gather [hbm4b:s6+s3], $0x80, v4, vm0, $0xb8;
	[tilespmem:$0x1A000] =	vst v63  }
0x42: {  	s26 =	simm.s32 $0x7800  }
0x43: {  	[tilespmem:s26], [sflag:$0x2] =	stream.indirect_vreg.gather [hbm4b:s8+s3], $0x80, v4, vm0, $0xb8;
	[tilespmem:$0x1A000] =	vst v63  }
0x44: {  	s26 =	simm.s32 $0x8000  }
0x45: {  	[tilespmem:s26], [sflag:$0x2] =	stream.indirect_vreg.gather [hbm4b:s1+s3], $0x80, v3, vm0, $0xb8;
	[tilespmem:$0x1A000] =	vst v63  }
0x46: {  	s26 =	simm.s32 $0x8800  }
0x47: {  	[tilespmem:s26], [sflag:$0x2] =	stream.indirect_vreg.gather [hbm4b:s5+s3], $0x80, v3, vm0, $0xb8;
	[tilespmem:$0x1A000] =	vst v63  }
0x48: {  	s26 =	simm.s32 $0x9000  }
0x49: {  	[tilespmem:s26], [sflag:$0x2] =	stream.indirect_vreg.gather [hbm4b:s6+s3], $0x80, v3, vm0, $0xb8;
	[tilespmem:$0x1A000] =	vst v63  }
0x4a: {  	s26 =	simm.s32 $0x9800  }
0x4b: {  	[tilespmem:s26], [sflag:$0x2] =	stream.indirect_vreg.gather [hbm4b:s8+s3], $0x80, v3, vm0, $0xb8;
	[tilespmem:$0x1A000] =	vst v63  }
0x4c: {  	v3 =	vld [tilespmem:$0x100];
	_ =	sdelay $0x4  }
0x4d: {  	v60 =	vshll.u32 v3, $0x3  }
0x4e: {  	v3 =	vand.u32 $0x7, v3;
	v4 =	vand.u32 $0xFFFFFFC0, v60  }
0x4f: {  	v3 =	vor.u32 v3, v4  }
0x50: {  	v4 =	vperm.xlane v3, v0;
	_ =	sdelay $0x1  }
0x51: {  	v4 =	vadd.s32 v1, v4;
	_ =	sdelay $0x4  }
0x52: {  	[tilespmem:s11], [sflag:$0x3] =	stream.indirect_vreg.gather [hbm4b:s1+s3], $0x80, v4, vm0, $0xb8;
	[tilespmem:$0x1A000] =	vst v63  }
0x53: {  	s26 =	simm.s32 $0xA800;
	v3 =	vperm.xlane v3, v2  }
0x54: {  	[tilespmem:s26], [sflag:$0x3] =	stream.indirect_vreg.gather [hbm4b:s5+s3], $0x80, v4, vm0, $0xb8;
	[tilespmem:$0x1A000] =	vst v63  }
0x55: {  	v3 =	vadd.s32 v1, v3;
	s11 =	simm.s32 $0xB000  }
0x56: {  	[tilespmem:s11], [sflag:$0x3] =	stream.indirect_vreg.gather [hbm4b:s6+s3], $0x80, v4, vm0, $0xb8;
	[tilespmem:$0x1A000] =	vst v63  }
0x57: {  	s26 =	simm.s32 $0xB800  }
0x58: {  	[tilespmem:s26], [sflag:$0x3] =	stream.indirect_vreg.gather [hbm4b:s8+s3], $0x80, v4, vm0, $0xb8;
	[tilespmem:$0x1A000] =	vst v63  }
0x59: {  	s11 =	simm.s32 $0xC000  }
0x5a: {  	[tilespmem:s11], [sflag:$0x3] =	stream.indirect_vreg.gather [hbm4b:s1+s3], $0x80, v3, vm0, $0xb8;
	[tilespmem:$0x1A000] =	vst v63  }
0x5b: {  	s26 =	simm.s32 $0xC800  }
0x5c: {  	[tilespmem:s26], [sflag:$0x3] =	stream.indirect_vreg.gather [hbm4b:s5+s3], $0x80, v3, vm0, $0xb8;
	[tilespmem:$0x1A000] =	vst v63  }
0x5d: {  	s11 =	simm.s32 $0xD000  }
0x5e: {  	[tilespmem:s11], [sflag:$0x3] =	stream.indirect_vreg.gather [hbm4b:s6+s3], $0x80, v3, vm0, $0xb8;
	[tilespmem:$0x1A000] =	vst v63  }
0x5f: {  	s26 =	simm.s32 $0xD800  }
0x60: {  	[tilespmem:s26], [sflag:$0x3] =	stream.indirect_vreg.gather [hbm4b:s8+s3], $0x80, v3, vm0, $0xb8;
	[tilespmem:$0x1A000] =	vst v63  }
0x61: {  	v3 =	vld [tilespmem:$0x180];
	_ =	sdelay $0x4  }
0x62: {  	v61 =	vshll.u32 v3, $0x3  }
0x63: {  	v3 =	vand.u32 $0x7, v3;
	v4 =	vand.u32 $0xFFFFFFC0, v61  }
0x64: {  	v3 =	vor.u32 v3, v4  }
0x65: {  	v4 =	vperm.xlane v3, v0;
	_ =	sdelay $0x1  }
0x66: {  	v4 =	vadd.s32 v1, v4;
	_ =	sdelay $0x4  }
0x67: {  	[tilespmem:s29], [sflag:$0x4] =	stream.indirect_vreg.gather [hbm4b:s1+s3], $0x80, v4, vm0, $0xb8;
	[tilespmem:$0x1A000] =	vst v63  }
0x68: {  	s11 =	simm.s32 $0xE800;
	v3 =	vperm.xlane v3, v2  }
0x69: {  	[tilespmem:s11], [sflag:$0x4] =	stream.indirect_vreg.gather [hbm4b:s5+s3], $0x80, v4, vm0, $0xb8;
	[tilespmem:$0x1A000] =	vst v63  }
0x6a: {  	s26 =	simm.s32 $0xF000;
	v3 =	vadd.s32 v1, v3  }
0x6b: {  	[tilespmem:s26], [sflag:$0x4] =	stream.indirect_vreg.gather [hbm4b:s6+s3], $0x80, v4, vm0, $0xb8;
	[tilespmem:$0x1A000] =	vst v63  }
0x6c: {  	s29 =	simm.s32 $0xF800  }
0x6d: {  	[tilespmem:s29], [sflag:$0x4] =	stream.indirect_vreg.gather [hbm4b:s8+s3], $0x80, v4, vm0, $0xb8;
	[tilespmem:$0x1A000] =	vst v63  }
0x6e: {  	s11 =	simm.s32 $0x10000  }
0x6f: {  	[tilespmem:s11], [sflag:$0x4] =	stream.indirect_vreg.gather [hbm4b:s1+s3], $0x80, v3, vm0, $0xb8;
	[tilespmem:$0x1A000] =	vst v63  }
0x70: {  	s26 =	simm.s32 $0x10800  }
0x71: {  	[tilespmem:s26], [sflag:$0x4] =	stream.indirect_vreg.gather [hbm4b:s5+s3], $0x80, v3, vm0, $0xb8;
	[tilespmem:$0x1A000] =	vst v63  }
0x72: {  	s29 =	simm.s32 $0x11000  }
0x73: {  	[tilespmem:s29], [sflag:$0x4] =	stream.indirect_vreg.gather [hbm4b:s6+s3], $0x80, v3, vm0, $0xb8;
	[tilespmem:$0x1A000] =	vst v63  }
0x74: {  	s11 =	simm.s32 $0x11800  }
0x75: {  	[tilespmem:s11], [sflag:$0x4] =	stream.indirect_vreg.gather [hbm4b:s8+s3], $0x80, v3, vm0, $0xb8;
	[tilespmem:$0x1A000] =	vst v63  }
0x76: {  	v3 =	vld [tilespmem:$0x200];
	_ =	sdelay $0x4  }
0x77: {  	v62 =	vshll.u32 v3, $0x3  }
0x78: {  	v3 =	vand.u32 $0x7, v3;
	v4 =	vand.u32 $0xFFFFFFC0, v62  }
0x79: {  	v3 =	vor.u32 v3, v4  }
0x7a: {  	v4 =	vperm.xlane v3, v0;
	_ =	sdelay $0x1  }
0x7b: {  	v4 =	vadd.s32 v1, v4;
	_ =	sdelay $0x4  }
0x7c: {  	[tilespmem:s28], [sflag:$0x5] =	stream.indirect_vreg.gather [hbm4b:s1+s3], $0x80, v4, vm0, $0xb8;
	[tilespmem:$0x1A000] =	vst v63  }
0x7d: {  	v3 =	vperm.xlane v3, v2  }
0x7e: {  	[tilespmem:s31], [sflag:$0x5] =	stream.indirect_vreg.gather [hbm4b:s5+s3], $0x80, v4, vm0, $0xb8;
	[tilespmem:$0x1A000] =	vst v63  }
0x7f: {  	v3 =	vadd.s32 v1, v3  }
0x80: {  	[tilespmem:s24], [sflag:$0x5] =	stream.indirect_vreg.gather [hbm4b:s6+s3], $0x80, v4, vm0, $0xb8;
	[tilespmem:$0x1A000] =	vst v63  }
0x81: {  	_ = 	snop  }
0x82: {  	[tilespmem:s15], [sflag:$0x5] =	stream.indirect_vreg.gather [hbm4b:s8+s3], $0x80, v4, vm0, $0xb8;
	[tilespmem:$0x1A000] =	vst v63  }
0x83: {  	_ = 	snop  }
0x84: {  	[tilespmem:s2], [sflag:$0x5] =	stream.indirect_vreg.gather [hbm4b:s1+s3], $0x80, v3, vm0, $0xb8;
	[tilespmem:$0x1A000] =	vst v63  }
0x85: {  	_ = 	snop  }
0x86: {  	[tilespmem:s16], [sflag:$0x5] =	stream.indirect_vreg.gather [hbm4b:s5+s3], $0x80, v3, vm0, $0xb8;
	[tilespmem:$0x1A000] =	vst v63  }
0x87: {  	_ = 	snop  }
0x88: {  	[tilespmem:s20], [sflag:$0x5] =	stream.indirect_vreg.gather [hbm4b:s6+s3], $0x80, v3, vm0, $0xb8;
	[tilespmem:$0x1A000] =	vst v63  }
0x89: {  	_ = 	snop  }
0x8a: {  	[tilespmem:s7], [sflag:$0x5] =	stream.indirect_vreg.gather [hbm4b:s8+s3], $0x80, v3, vm0, $0xb8;
	[tilespmem:$0x1A000] =	vst v63  }
0x8b: {  	v3 =	vld [tilespmem:$0x280];
	_ =	sdelay $0x4  }
0x8c: {  	v63 =	vshll.u32 v3, $0x3  }
0x8d: {  	v3 =	vand.u32 $0x7, v3;
	v4 =	vand.u32 $0xFFFFFFC0, v63  }
0x8e: {  	v3 =	vor.u32 v3, v4  }
0x8f: {  	v4 =	vperm.xlane v3, v0;
	_ =	sdelay $0x1  }
0x90: {  	v4 =	vadd.s32 v1, v4;
	_ =	sdelay $0x4  }
0x91: {  	[tilespmem:s12], [sflag:$0x6] =	stream.indirect_vreg.gather [hbm4b:s1+s3], $0x80, v4, vm0, $0xb8;
	[tilespmem:$0x1A000] =	vst v63  }
0x92: {  	s15 =	simm.s32 $0x16800;
	v3 =	vperm.xlane v3, v2  }
0x93: {  	[tilespmem:s15], [sflag:$0x6] =	stream.indirect_vreg.gather [hbm4b:s5+s3], $0x80, v4, vm0, $0xb8;
	[tilespmem:$0x1A000] =	vst v63  }
0x94: {  	s16 =	simm.s32 $0x17000;
	v3 =	vadd.s32 v1, v3  }
0x95: {  	[tilespmem:s16], [sflag:$0x6] =	stream.indirect_vreg.gather [hbm4b:s6+s3], $0x80, v4, vm0, $0xb8;
	[tilespmem:$0x1A000] =	vst v63  }
0x96: {  	s20 =	simm.s32 $0x17800  }
0x97: {  	[tilespmem:s20], [sflag:$0x6] =	stream.indirect_vreg.gather [hbm4b:s8+s3], $0x80, v4, vm0, $0xb8;
	[tilespmem:$0x1A000] =	vst v63  }
0x98: {  	s24 =	simm.s32 $0x18000  }
0x99: {  	[tilespmem:s24], [sflag:$0x6] =	stream.indirect_vreg.gather [hbm4b:s1+s3], $0x80, v3, vm0, $0xb8;
	[tilespmem:$0x1A000] =	vst v63  }
0x9a: {  	s26 =	simm.s32 $0x18800  }
0x9b: {  	[tilespmem:s26], [sflag:$0x6] =	stream.indirect_vreg.gather [hbm4b:s5+s3], $0x80, v3, vm0, $0xb8;
	[tilespmem:$0x1A000] =	vst v63  }
0x9c: {  	s28 =	simm.s32 $0x19000  }
0x9d: {  	[tilespmem:s28], [sflag:$0x6] =	stream.indirect_vreg.gather [hbm4b:s6+s3], $0x80, v3, vm0, $0xb8;
	[tilespmem:$0x1A000] =	vst v63  }
0x9e: {  	s14 =	simm.s32 $0x0;
	s29 =	simm.s32 $0x19800;
	s2 =	simm.s32 $0x14000  }
0x9f: {  	[tilespmem:s29], [sflag:$0x6] =	stream.indirect_vreg.gather [hbm4b:s8+s3], $0x80, v3, vm0, $0xb8;
	[tilespmem:$0x1A000] =	vst v63  }
0xa0: {  	s7 =	simm.s32 $0x15800;
	s15 =	simm.s32 $0x13800;
	_ =	swait.ge [sflag:s0], $0x4000  }
0xa1: {  	s16 =	simm.s32 $0x14800;
	s20 =	simm.s32 $0x15000;
	[sflag:s0] =	ssyncset.done $0x0  }
0xa2: {  	s24 =	simm.s32 $0x580;
	s31 =	rddreg [dreg:$0x6];
	[sflag:s0] =	ssyncadd.s32 $0xFFFFC000  }
0xa3: {  	[hbm4b:s31+s3] =	stream.linear.scatter [tilespmem:s25], [sflag:$0x7], $0x4000, $0x38;
	[tilespmem:$0x1A000] =	vst v63  }
.LBB2_2:
0xa4: {  	_ =	swait.ge [sflag:s17], $0x4000  }
0xa5: {  	s25 =	rddreg [dreg:$0x4]  }
0xa6: {  	[sflag:s17] =	ssyncset.done $0x0;
	s25 =	sadd.s32 s14, s25  }
0xa7: {  	s11 =	simm.s32 $0x6000;
	[sflag:s17] =	ssyncadd.s32 $0xFFFFC000;
	s31 =	sadd.s32 $0x800, s25  }
0xa8: {  	[hbm4b:s31+s3] =	stream.linear.scatter [tilespmem:s11], [sflag:$0x8], $0x4000, $0x38;
	[tilespmem:$0x1A000] =	vst v63  }
0xa9: {  	_ =	swait.ge [sflag:s4], $0x4000  }
0xaa: {  	[sflag:s4] =	ssyncset.done $0x0  }
0xab: {  	[sflag:s4] =	ssyncadd.s32 $0xFFFFC000  }
0xac: {  	v3 =	vld [tilespmem:s24+$0xFFFFFD80];
	_ =	sdelay $0x4  }
0xad: {  	v4 =	vshll.u32 v3, $0x3  }
0xae: {  	v3 =	vand.u32 $0x7, v3;
	v4 =	vand.u32 $0xFFFFFFC0, v4  }
0xaf: {  	v3 =	vor.u32 v3, v4  }
0xb0: {  	v4 =	vperm.xlane v3, v0;
	_ =	sdelay $0x1  }
0xb1: {  	v4 =	vadd.s32 v1, v4;
	_ =	sdelay $0x3  }
0xb2: {  	s29 =	simm.s32 $0x2000  }
0xb3: {  	[tilespmem:s29], [sflag:$0x1] =	stream.indirect_vreg.gather [hbm4b:s1+s3], $0x80, v4, vm0, $0xb8;
	[tilespmem:$0x1A000] =	vst v63  }
0xb4: {  	s31 =	simm.s32 $0x2800;
	v3 =	vperm.xlane v3, v2  }
0xb5: {  	[tilespmem:s31], [sflag:$0x1] =	stream.indirect_vreg.gather [hbm4b:s5+s3], $0x80, v4, vm0, $0xb8;
	[tilespmem:$0x1A000] =	vst v63  }
0xb6: {  	v3 =	vadd.s32 v1, v3;
	s31 =	simm.s32 $0x3000  }
0xb7: {  	[tilespmem:s31], [sflag:$0x1] =	stream.indirect_vreg.gather [hbm4b:s6+s3], $0x80, v4, vm0, $0xb8;
	[tilespmem:$0x1A000] =	vst v63  }
0xb8: {  	s31 =	simm.s32 $0x3800  }
0xb9: {  	[tilespmem:s31], [sflag:$0x1] =	stream.indirect_vreg.gather [hbm4b:s8+s3], $0x80, v4, vm0, $0xb8;
	[tilespmem:$0x1A000] =	vst v63  }
0xba: {  	s31 =	simm.s32 $0x4000  }
0xbb: {  	[tilespmem:s31], [sflag:$0x1] =	stream.indirect_vreg.gather [hbm4b:s1+s3], $0x80, v3, vm0, $0xb8;
	[tilespmem:$0x1A000] =	vst v63  }
0xbc: {  	s31 =	simm.s32 $0x4800  }
0xbd: {  	[tilespmem:s31], [sflag:$0x1] =	stream.indirect_vreg.gather [hbm4b:s5+s3], $0x80, v3, vm0, $0xb8;
	[tilespmem:$0x1A000] =	vst v63  }
0xbe: {  	s31 =	simm.s32 $0x5000  }
0xbf: {  	[tilespmem:s31], [sflag:$0x1] =	stream.indirect_vreg.gather [hbm4b:s6+s3], $0x80, v3, vm0, $0xb8;
	[tilespmem:$0x1A000] =	vst v63  }
0xc0: {  	s31 =	simm.s32 $0x5800  }
0xc1: {  	[tilespmem:s31], [sflag:$0x1] =	stream.indirect_vreg.gather [hbm4b:s8+s3], $0x80, v3, vm0, $0xb8;
	[tilespmem:$0x1A000] =	vst v63  }
0xc2: {  	_ =	swait.ge [sflag:s18], $0x4000  }
0xc3: {  	[sflag:s18] =	ssyncset.done $0x0  }
0xc4: {  	s28 =	simm.s32 $0xA000;
	s31 =	sadd.s32 $0x1000, s25;
	[sflag:s18] =	ssyncadd.s32 $0xFFFFC000  }
0xc5: {  	[hbm4b:s31+s3] =	stream.linear.scatter [tilespmem:s28], [sflag:$0x9], $0x4000, $0x38;
	[tilespmem:$0x1A000] =	vst v63  }
0xc6: {  	_ =	swait.ge [sflag:s9], $0x4000  }
0xc7: {  	[sflag:s9] =	ssyncset.done $0x0  }
0xc8: {  	[sflag:s9] =	ssyncadd.s32 $0xFFFFC000  }
0xc9: {  	v3 =	vld [tilespmem:s24+$0xFFFFFE00];
	_ =	sdelay $0x4  }
0xca: {  	v59 =	vshll.u32 v3, $0x3  }
0xcb: {  	v3 =	vand.u32 $0x7, v3;
	v4 =	vand.u32 $0xFFFFFFC0, v59  }
0xcc: {  	v3 =	vor.u32 v3, v4  }
0xcd: {  	v4 =	vperm.xlane v3, v0;
	_ =	sdelay $0x1  }
0xce: {  	v4 =	vadd.s32 v1, v4;
	_ =	sdelay $0x4  }
0xcf: {  	[tilespmem:s11], [sflag:$0x2] =	stream.indirect_vreg.gather [hbm4b:s1+s3], $0x80, v4, vm0, $0xb8;
	[tilespmem:$0x1A000] =	vst v63  }
0xd0: {  	s31 =	simm.s32 $0x6800;
	v3 =	vperm.xlane v3, v2  }
0xd1: {  	[tilespmem:s31], [sflag:$0x2] =	stream.indirect_vreg.gather [hbm4b:s5+s3], $0x80, v4, vm0, $0xb8;
	[tilespmem:$0x1A000] =	vst v63  }
0xd2: {  	v3 =	vadd.s32 v1, v3;
	s31 =	simm.s32 $0x7000  }
0xd3: {  	[tilespmem:s31], [sflag:$0x2] =	stream.indirect_vreg.gather [hbm4b:s6+s3], $0x80, v4, vm0, $0xb8;
	[tilespmem:$0x1A000] =	vst v63  }
0xd4: {  	s31 =	simm.s32 $0x7800  }
0xd5: {  	[tilespmem:s31], [sflag:$0x2] =	stream.indirect_vreg.gather [hbm4b:s8+s3], $0x80, v4, vm0, $0xb8;
	[tilespmem:$0x1A000] =	vst v63  }
0xd6: {  	s31 =	simm.s32 $0x8000  }
0xd7: {  	[tilespmem:s31], [sflag:$0x2] =	stream.indirect_vreg.gather [hbm4b:s1+s3], $0x80, v3, vm0, $0xb8;
	[tilespmem:$0x1A000] =	vst v63  }
0xd8: {  	s31 =	simm.s32 $0x8800  }
0xd9: {  	[tilespmem:s31], [sflag:$0x2] =	stream.indirect_vreg.gather [hbm4b:s5+s3], $0x80, v3, vm0, $0xb8;
	[tilespmem:$0x1A000] =	vst v63  }
0xda: {  	s31 =	simm.s32 $0x9000  }
0xdb: {  	[tilespmem:s31], [sflag:$0x2] =	stream.indirect_vreg.gather [hbm4b:s6+s3], $0x80, v3, vm0, $0xb8;
	[tilespmem:$0x1A000] =	vst v63  }
0xdc: {  	s31 =	simm.s32 $0x9800  }
0xdd: {  	[tilespmem:s31], [sflag:$0x2] =	stream.indirect_vreg.gather [hbm4b:s8+s3], $0x80, v3, vm0, $0xb8;
	[tilespmem:$0x1A000] =	vst v63  }
0xde: {  	_ =	swait.ge [sflag:s10], $0x4000  }
0xdf: {  	[sflag:s10] =	ssyncset.done $0x0  }
0xe0: {  	s12 =	simm.s32 $0xE000;
	s31 =	sadd.s32 $0x1800, s25;
	[sflag:s10] =	ssyncadd.s32 $0xFFFFC000  }
0xe1: {  	[hbm4b:s31+s3] =	stream.linear.scatter [tilespmem:s12], [sflag:$0xA], $0x4000, $0x38;
	[tilespmem:$0x1A000] =	vst v63  }
0xe2: {  	_ =	swait.ge [sflag:s19], $0x4000  }
0xe3: {  	[sflag:s19] =	ssyncset.done $0x0  }
0xe4: {  	[sflag:s19] =	ssyncadd.s32 $0xFFFFC000  }
0xe5: {  	v3 =	vld [tilespmem:s24+$0xFFFFFE80];
	_ =	sdelay $0x4  }
0xe6: {  	v60 =	vshll.u32 v3, $0x3  }
0xe7: {  	v3 =	vand.u32 $0x7, v3;
	v4 =	vand.u32 $0xFFFFFFC0, v60  }
0xe8: {  	v3 =	vor.u32 v3, v4  }
0xe9: {  	v4 =	vperm.xlane v3, v0;
	_ =	sdelay $0x1  }
0xea: {  	v4 =	vadd.s32 v1, v4;
	_ =	sdelay $0x4  }
0xeb: {  	[tilespmem:s28], [sflag:$0x3] =	stream.indirect_vreg.gather [hbm4b:s1+s3], $0x80, v4, vm0, $0xb8;
	[tilespmem:$0x1A000] =	vst v63  }
0xec: {  	s31 =	simm.s32 $0xA800;
	v3 =	vperm.xlane v3, v2  }
0xed: {  	[tilespmem:s31], [sflag:$0x3] =	stream.indirect_vreg.gather [hbm4b:s5+s3], $0x80, v4, vm0, $0xb8;
	[tilespmem:$0x1A000] =	vst v63  }
0xee: {  	v3 =	vadd.s32 v1, v3;
	s31 =	simm.s32 $0xB000  }
0xef: {  	[tilespmem:s31], [sflag:$0x3] =	stream.indirect_vreg.gather [hbm4b:s6+s3], $0x80, v4, vm0, $0xb8;
	[tilespmem:$0x1A000] =	vst v63  }
0xf0: {  	s31 =	simm.s32 $0xB800  }
0xf1: {  	[tilespmem:s31], [sflag:$0x3] =	stream.indirect_vreg.gather [hbm4b:s8+s3], $0x80, v4, vm0, $0xb8;
	[tilespmem:$0x1A000] =	vst v63  }
0xf2: {  	s31 =	simm.s32 $0xC000  }
0xf3: {  	[tilespmem:s31], [sflag:$0x3] =	stream.indirect_vreg.gather [hbm4b:s1+s3], $0x80, v3, vm0, $0xb8;
	[tilespmem:$0x1A000] =	vst v63  }
0xf4: {  	s31 =	simm.s32 $0xC800  }
0xf5: {  	[tilespmem:s31], [sflag:$0x3] =	stream.indirect_vreg.gather [hbm4b:s5+s3], $0x80, v3, vm0, $0xb8;
	[tilespmem:$0x1A000] =	vst v63  }
0xf6: {  	s31 =	simm.s32 $0xD000  }
0xf7: {  	[tilespmem:s31], [sflag:$0x3] =	stream.indirect_vreg.gather [hbm4b:s6+s3], $0x80, v3, vm0, $0xb8;
	[tilespmem:$0x1A000] =	vst v63  }
0xf8: {  	s31 =	simm.s32 $0xD800  }
0xf9: {  	[tilespmem:s31], [sflag:$0x3] =	stream.indirect_vreg.gather [hbm4b:s8+s3], $0x80, v3, vm0, $0xb8;
	[tilespmem:$0x1A000] =	vst v63  }
0xfa: {  	_ =	swait.ge [sflag:s21], $0x4000  }
0xfb: {  	[sflag:s21] =	ssyncset.done $0x0  }
0xfc: {  	s11 =	simm.s32 $0x12000;
	s31 =	sadd.s32 $0x2000, s25;
	[sflag:s21] =	ssyncadd.s32 $0xFFFFC000  }
0xfd: {  	[hbm4b:s31+s3] =	stream.linear.scatter [tilespmem:s11], [sflag:$0xB], $0x4000, $0x38;
	[tilespmem:$0x1A000] =	vst v63  }
0xfe: {  	_ =	swait.ge [sflag:s22], $0x4000  }
0xff: {  	[sflag:s22] =	ssyncset.done $0x0  }
0x100: {  	[sflag:s22] =	ssyncadd.s32 $0xFFFFC000  }
0x101: {  	v3 =	vld [tilespmem:s24+$0xFFFFFF00];
	_ =	sdelay $0x4  }
0x102: {  	v61 =	vshll.u32 v3, $0x3  }
0x103: {  	v3 =	vand.u32 $0x7, v3;
	v4 =	vand.u32 $0xFFFFFFC0, v61  }
0x104: {  	v3 =	vor.u32 v3, v4  }
0x105: {  	v4 =	vperm.xlane v3, v0;
	_ =	sdelay $0x1  }
0x106: {  	v4 =	vadd.s32 v1, v4;
	_ =	sdelay $0x4  }
0x107: {  	[tilespmem:s12], [sflag:$0x4] =	stream.indirect_vreg.gather [hbm4b:s1+s3], $0x80, v4, vm0, $0xb8;
	[tilespmem:$0x1A000] =	vst v63  }
0x108: {  	s31 =	simm.s32 $0xE800;
	v3 =	vperm.xlane v3, v2  }
0x109: {  	[tilespmem:s31], [sflag:$0x4] =	stream.indirect_vreg.gather [hbm4b:s5+s3], $0x80, v4, vm0, $0xb8;
	[tilespmem:$0x1A000] =	vst v63  }
0x10a: {  	v3 =	vadd.s32 v1, v3;
	s31 =	simm.s32 $0xF000  }
0x10b: {  	[tilespmem:s31], [sflag:$0x4] =	stream.indirect_vreg.gather [hbm4b:s6+s3], $0x80, v4, vm0, $0xb8;
	[tilespmem:$0x1A000] =	vst v63  }
0x10c: {  	s31 =	simm.s32 $0xF800  }
0x10d: {  	[tilespmem:s31], [sflag:$0x4] =	stream.indirect_vreg.gather [hbm4b:s8+s3], $0x80, v4, vm0, $0xb8;
	[tilespmem:$0x1A000] =	vst v63  }
0x10e: {  	s31 =	simm.s32 $0x10000  }
0x10f: {  	[tilespmem:s31], [sflag:$0x4] =	stream.indirect_vreg.gather [hbm4b:s1+s3], $0x80, v3, vm0, $0xb8;
	[tilespmem:$0x1A000] =	vst v63  }
0x110: {  	s31 =	simm.s32 $0x10800  }
0x111: {  	[tilespmem:s31], [sflag:$0x4] =	stream.indirect_vreg.gather [hbm4b:s5+s3], $0x80, v3, vm0, $0xb8;
	[tilespmem:$0x1A000] =	vst v63  }
0x112: {  	s31 =	simm.s32 $0x11000  }
0x113: {  	[tilespmem:s31], [sflag:$0x4] =	stream.indirect_vreg.gather [hbm4b:s6+s3], $0x80, v3, vm0, $0xb8;
	[tilespmem:$0x1A000] =	vst v63  }
0x114: {  	s31 =	simm.s32 $0x11800  }
0x115: {  	[tilespmem:s31], [sflag:$0x4] =	stream.indirect_vreg.gather [hbm4b:s8+s3], $0x80, v3, vm0, $0xb8;
	[tilespmem:$0x1A000] =	vst v63  }
0x116: {  	_ =	swait.ge [sflag:s13], $0x4000  }
0x117: {  	[sflag:s13] =	ssyncset.done $0x0  }
0x118: {  	s26 =	simm.s32 $0x16000;
	s31 =	sadd.s32 $0x2800, s25;
	[sflag:s13] =	ssyncadd.s32 $0xFFFFC000  }
0x119: {  	[hbm4b:s31+s3] =	stream.linear.scatter [tilespmem:s26], [sflag:$0xC], $0x4000, $0x38;
	[tilespmem:$0x1A000] =	vst v63  }
0x11a: {  	_ =	swait.ge [sflag:s23], $0x4000  }
0x11b: {  	[sflag:s23] =	ssyncset.done $0x0  }
0x11c: {  	[sflag:s23] =	ssyncadd.s32 $0xFFFFC000  }
0x11d: {  	v3 =	vld [tilespmem:s24+$0xFFFFFF80];
	_ =	sdelay $0x4  }
0x11e: {  	v62 =	vshll.u32 v3, $0x3  }
0x11f: {  	v3 =	vand.u32 $0x7, v3;
	v4 =	vand.u32 $0xFFFFFFC0, v62  }
0x120: {  	v3 =	vor.u32 v3, v4  }
0x121: {  	v4 =	vperm.xlane v3, v0;
	_ =	sdelay $0x1  }
0x122: {  	v4 =	vadd.s32 v1, v4;
	_ =	sdelay $0x4  }
0x123: {  	[tilespmem:s11], [sflag:$0x5] =	stream.indirect_vreg.gather [hbm4b:s1+s3], $0x80, v4, vm0, $0xb8;
	[tilespmem:$0x1A000] =	vst v63  }
0x124: {  	s31 =	simm.s32 $0x12800;
	v3 =	vperm.xlane v3, v2  }
0x125: {  	[tilespmem:s31], [sflag:$0x5] =	stream.indirect_vreg.gather [hbm4b:s5+s3], $0x80, v4, vm0, $0xb8;
	[tilespmem:$0x1A000] =	vst v63  }
0x126: {  	s12 =	simm.s32 $0x13000;
	v3 =	vadd.s32 v1, v3  }
0x127: {  	[tilespmem:s12], [sflag:$0x5] =	stream.indirect_vreg.gather [hbm4b:s6+s3], $0x80, v4, vm0, $0xb8;
	[tilespmem:$0x1A000] =	vst v63  }
0x128: {  	_ = 	snop  }
0x129: {  	[tilespmem:s15], [sflag:$0x5] =	stream.indirect_vreg.gather [hbm4b:s8+s3], $0x80, v4, vm0, $0xb8;
	[tilespmem:$0x1A000] =	vst v63  }
0x12a: {  	_ = 	snop  }
0x12b: {  	[tilespmem:s2], [sflag:$0x5] =	stream.indirect_vreg.gather [hbm4b:s1+s3], $0x80, v3, vm0, $0xb8;
	[tilespmem:$0x1A000] =	vst v63  }
0x12c: {  	_ = 	snop  }
0x12d: {  	[tilespmem:s16], [sflag:$0x5] =	stream.indirect_vreg.gather [hbm4b:s5+s3], $0x80, v3, vm0, $0xb8;
	[tilespmem:$0x1A000] =	vst v63  }
0x12e: {  	_ = 	snop  }
0x12f: {  	[tilespmem:s20], [sflag:$0x5] =	stream.indirect_vreg.gather [hbm4b:s6+s3], $0x80, v3, vm0, $0xb8;
	[tilespmem:$0x1A000] =	vst v63  }
0x130: {  	_ = 	snop  }
0x131: {  	[tilespmem:s7], [sflag:$0x5] =	stream.indirect_vreg.gather [hbm4b:s8+s3], $0x80, v3, vm0, $0xb8;
	[tilespmem:$0x1A000] =	vst v63  }
0x132: {  	_ =	swait.ge [sflag:s0], $0x4000  }
0x133: {  	[sflag:s0] =	ssyncset.done $0x0  }
0x134: {  	s25 =	sadd.s32 $0x3000, s25;
	[sflag:s0] =	ssyncadd.s32 $0xFFFFC000  }
0x135: {  	[hbm4b:s25+s3] =	stream.linear.scatter [tilespmem:s29], [sflag:$0x7], $0x4000, $0x38;
	[tilespmem:$0x1A000] =	vst v63  }
0x136: {  	_ =	swait.ge [sflag:s30], $0x4000  }
0x137: {  	[sflag:s30] =	ssyncset.done $0x0  }
0x138: {  	[sflag:s30] =	ssyncadd.s32 $0xFFFFC000  }
0x139: {  	v3 =	vld [tilespmem:s24+$0x0];
	_ =	sdelay $0x4  }
0x13a: {  	v63 =	vshll.u32 v3, $0x3  }
0x13b: {  	v3 =	vand.u32 $0x7, v3;
	v4 =	vand.u32 $0xFFFFFFC0, v63  }
0x13c: {  	v3 =	vor.u32 v3, v4  }
0x13d: {  	v4 =	vperm.xlane v3, v0;
	_ =	sdelay $0x1  }
0x13e: {  	v4 =	vadd.s32 v1, v4;
	_ =	sdelay $0x4  }
0x13f: {  	[tilespmem:s26], [sflag:$0x6] =	stream.indirect_vreg.gather [hbm4b:s1+s3], $0x80, v4, vm0, $0xb8;
	[tilespmem:$0x1A000] =	vst v63  }
0x140: {  	s29 =	simm.s32 $0x16800;
	v3 =	vperm.xlane v3, v2  }
0x141: {  	[tilespmem:s29], [sflag:$0x6] =	stream.indirect_vreg.gather [hbm4b:s5+s3], $0x80, v4, vm0, $0xb8;
	[tilespmem:$0x1A000] =	vst v63  }
0x142: {  	s25 =	simm.s32 $0x17000;
	v3 =	vadd.s32 v1, v3  }
0x143: {  	[tilespmem:s25], [sflag:$0x6] =	stream.indirect_vreg.gather [hbm4b:s6+s3], $0x80, v4, vm0, $0xb8;
	[tilespmem:$0x1A000] =	vst v63  }
0x144: {  	s26 =	simm.s32 $0x17800  }
0x145: {  	[tilespmem:s26], [sflag:$0x6] =	stream.indirect_vreg.gather [hbm4b:s8+s3], $0x80, v4, vm0, $0xb8;
	[tilespmem:$0x1A000] =	vst v63  }
0x146: {  	s29 =	simm.s32 $0x18000  }
0x147: {  	[tilespmem:s29], [sflag:$0x6] =	stream.indirect_vreg.gather [hbm4b:s1+s3], $0x80, v3, vm0, $0xb8;
	[tilespmem:$0x1A000] =	vst v63  }
0x148: {  	p0 =	sne.s32 s14, $0x18000;
	s25 =	simm.s32 $0x18800  }
0x149: {  	[tilespmem:s25], [sflag:$0x6] =	stream.indirect_vreg.gather [hbm4b:s5+s3], $0x80, v3, vm0, $0xb8;
	[tilespmem:$0x1A000] =	vst v63  }
.Ltmp0:
0x14a: {  	_ = 	snop;
	(pc) =	sbr.rel @p0 .LBB2_2-.Ltmp0, $4  }
0x14b: {  	s14 =	sadd.s32 $0x3000, s14;
	s28 =	simm.s32 $0x12000;
	s26 =	simm.s32 $0x19000  }
0x14c: {  	[tilespmem:s26], [sflag:$0x6] =	stream.indirect_vreg.gather [hbm4b:s6+s3], $0x80, v3, vm0, $0xb8;
	[tilespmem:$0x1A000] =	vst v63  }
0x14d: {  	s12 =	simm.s32 $0x16000;
	s24 =	sadd.s32 $0x300, s24;
	s29 =	simm.s32 $0x19800  }
0x14e: {  	[tilespmem:s29], [sflag:$0x6] =	stream.indirect_vreg.gather [hbm4b:s8+s3], $0x80, v3, vm0, $0xb8;
	[tilespmem:$0x1A000] =	vst v63  }
0x14f: {  	_ =	swait.ge [sflag:s17], $0x4000  }
0x150: {  	[sflag:s17] =	ssyncset.done $0x0  }
0x151: {  	s15 =	simm.s32 $0x6000;
	s14 =	rddreg [dreg:$0x7];
	[sflag:s17] =	ssyncadd.s32 $0xFFFFC000  }
0x152: {  	[hbm4b:s14+s3] =	stream.linear.scatter [tilespmem:s15], [sflag:$0x8], $0x4000, $0x38;
	[tilespmem:$0x1A000] =	vst v63  }
0x153: {  	_ =	swait.ge [sflag:s4], $0x4000  }
0x154: {  	[sflag:s4] =	ssyncset.done $0x0  }
0x155: {  	[sflag:s4] =	ssyncadd.s32 $0xFFFFC000  }
0x156: {  	v3 =	vld [tilespmem:$0x1E00];
	_ =	sdelay $0x4  }
0x157: {  	v4 =	vshll.u32 v3, $0x3  }
0x158: {  	v3 =	vand.u32 $0x7, v3;
	v4 =	vand.u32 $0xFFFFFFC0, v4  }
0x159: {  	v3 =	vor.u32 v3, v4  }
0x15a: {  	v4 =	vperm.xlane v3, v0;
	_ =	sdelay $0x1  }
0x15b: {  	v4 =	vadd.s32 v1, v4;
	_ =	sdelay $0x3  }
0x15c: {  	s2 =	simm.s32 $0x2000  }
0x15d: {  	[tilespmem:s2], [sflag:$0x1] =	stream.indirect_vreg.gather [hbm4b:s1+s3], $0x80, v4, vm0, $0xb8;
	[tilespmem:$0x1A000] =	vst v63  }
0x15e: {  	s11 =	simm.s32 $0x2800;
	v3 =	vperm.xlane v3, v2  }
0x15f: {  	[tilespmem:s11], [sflag:$0x1] =	stream.indirect_vreg.gather [hbm4b:s5+s3], $0x80, v4, vm0, $0xb8;
	[tilespmem:$0x1A000] =	vst v63  }
0x160: {  	s16 =	simm.s32 $0x3000;
	v3 =	vadd.s32 v1, v3  }
0x161: {  	[tilespmem:s16], [sflag:$0x1] =	stream.indirect_vreg.gather [hbm4b:s6+s3], $0x80, v4, vm0, $0xb8;
	[tilespmem:$0x1A000] =	vst v63  }
0x162: {  	s20 =	simm.s32 $0x3800  }
0x163: {  	[tilespmem:s20], [sflag:$0x1] =	stream.indirect_vreg.gather [hbm4b:s8+s3], $0x80, v4, vm0, $0xb8;
	[tilespmem:$0x1A000] =	vst v63  }
0x164: {  	s24 =	simm.s32 $0x4000  }
0x165: {  	[tilespmem:s24], [sflag:$0x1] =	stream.indirect_vreg.gather [hbm4b:s1+s3], $0x80, v3, vm0, $0xb8;
	[tilespmem:$0x1A000] =	vst v63  }
0x166: {  	s25 =	simm.s32 $0x4800  }
0x167: {  	[tilespmem:s25], [sflag:$0x1] =	stream.indirect_vreg.gather [hbm4b:s5+s3], $0x80, v3, vm0, $0xb8;
	[tilespmem:$0x1A000] =	vst v63  }
0x168: {  	s26 =	simm.s32 $0x5000  }
0x169: {  	[tilespmem:s26], [sflag:$0x1] =	stream.indirect_vreg.gather [hbm4b:s6+s3], $0x80, v3, vm0, $0xb8;
	[tilespmem:$0x1A000] =	vst v63  }
0x16a: {  	s7 =	simm.s32 $0x5800  }
0x16b: {  	[tilespmem:s7], [sflag:$0x1] =	stream.indirect_vreg.gather [hbm4b:s8+s3], $0x80, v3, vm0, $0xb8;
	[tilespmem:$0x1A000] =	vst v63  }
0x16c: {  	_ =	swait.ge [sflag:s18], $0x4000  }
0x16d: {  	[sflag:s18] =	ssyncset.done $0x0  }
0x16e: {  	s16 =	simm.s32 $0xA000;
	s11 =	rddreg [dreg:$0x8];
	[sflag:s18] =	ssyncadd.s32 $0xFFFFC000  }
0x16f: {  	[hbm4b:s11+s3] =	stream.linear.scatter [tilespmem:s16], [sflag:$0x9], $0x4000, $0x38;
	[tilespmem:$0x1A000] =	vst v63  }
0x170: {  	_ =	swait.ge [sflag:s9], $0x4000  }
0x171: {  	[sflag:s9] =	ssyncset.done $0x0  }
0x172: {  	[sflag:s9] =	ssyncadd.s32 $0xFFFFC000  }
0x173: {  	v3 =	vld [tilespmem:$0x1E80];
	_ =	sdelay $0x4  }
0x174: {  	v61 =	vshll.u32 v3, $0x3  }
0x175: {  	v3 =	vand.u32 $0x7, v3;
	v4 =	vand.u32 $0xFFFFFFC0, v61  }
0x176: {  	v3 =	vor.u32 v3, v4  }
0x177: {  	v4 =	vperm.xlane v3, v0;
	_ =	sdelay $0x1  }
0x178: {  	v4 =	vadd.s32 v1, v4;
	_ =	sdelay $0x4  }
0x179: {  	[tilespmem:s15], [sflag:$0x2] =	stream.indirect_vreg.gather [hbm4b:s1+s3], $0x80, v4, vm0, $0xb8;
	[tilespmem:$0x1A000] =	vst v63  }
0x17a: {  	s20 =	simm.s32 $0x6800;
	v3 =	vperm.xlane v3, v2  }
0x17b: {  	[tilespmem:s20], [sflag:$0x2] =	stream.indirect_vreg.gather [hbm4b:s5+s3], $0x80, v4, vm0, $0xb8;
	[tilespmem:$0x1A000] =	vst v63  }
0x17c: {  	s24 =	simm.s32 $0x7000;
	v3 =	vadd.s32 v1, v3  }
0x17d: {  	[tilespmem:s24], [sflag:$0x2] =	stream.indirect_vreg.gather [hbm4b:s6+s3], $0x80, v4, vm0, $0xb8;
	[tilespmem:$0x1A000] =	vst v63  }
0x17e: {  	s25 =	simm.s32 $0x7800  }
0x17f: {  	[tilespmem:s25], [sflag:$0x2] =	stream.indirect_vreg.gather [hbm4b:s8+s3], $0x80, v4, vm0, $0xb8;
	[tilespmem:$0x1A000] =	vst v63  }
0x180: {  	s26 =	simm.s32 $0x8000  }
0x181: {  	[tilespmem:s26], [sflag:$0x2] =	stream.indirect_vreg.gather [hbm4b:s1+s3], $0x80, v3, vm0, $0xb8;
	[tilespmem:$0x1A000] =	vst v63  }
0x182: {  	s7 =	simm.s32 $0x8800  }
0x183: {  	[tilespmem:s7], [sflag:$0x2] =	stream.indirect_vreg.gather [hbm4b:s5+s3], $0x80, v3, vm0, $0xb8;
	[tilespmem:$0x1A000] =	vst v63  }
0x184: {  	s11 =	simm.s32 $0x9000  }
0x185: {  	[tilespmem:s11], [sflag:$0x2] =	stream.indirect_vreg.gather [hbm4b:s6+s3], $0x80, v3, vm0, $0xb8;
	[tilespmem:$0x1A000] =	vst v63  }
0x186: {  	s20 =	simm.s32 $0x9800  }
0x187: {  	[tilespmem:s20], [sflag:$0x2] =	stream.indirect_vreg.gather [hbm4b:s8+s3], $0x80, v3, vm0, $0xb8;
	[tilespmem:$0x1A000] =	vst v63  }
0x188: {  	_ =	swait.ge [sflag:s10], $0x4000  }
0x189: {  	[sflag:s10] =	ssyncset.done $0x0  }
0x18a: {  	s7 =	simm.s32 $0xE000;
	s24 =	rddreg [dreg:$0x9];
	[sflag:s10] =	ssyncadd.s32 $0xFFFFC000  }
0x18b: {  	[hbm4b:s24+s3] =	stream.linear.scatter [tilespmem:s7], [sflag:$0xA], $0x4000, $0x38;
	[tilespmem:$0x1A000] =	vst v63  }
0x18c: {  	_ =	swait.ge [sflag:s19], $0x4000  }
0x18d: {  	[sflag:s19] =	ssyncset.done $0x0  }
0x18e: {  	[sflag:s19] =	ssyncadd.s32 $0xFFFFC000  }
0x18f: {  	v3 =	vld [tilespmem:$0x1F00];
	_ =	sdelay $0x4  }
0x190: {  	v62 =	vshll.u32 v3, $0x3  }
0x191: {  	v3 =	vand.u32 $0x7, v3;
	v4 =	vand.u32 $0xFFFFFFC0, v62  }
0x192: {  	v3 =	vor.u32 v3, v4  }
0x193: {  	v4 =	vperm.xlane v3, v0;
	_ =	sdelay $0x1  }
0x194: {  	v4 =	vadd.s32 v1, v4;
	_ =	sdelay $0x4  }
0x195: {  	[tilespmem:s16], [sflag:$0x3] =	stream.indirect_vreg.gather [hbm4b:s1+s3], $0x80, v4, vm0, $0xb8;
	[tilespmem:$0x1A000] =	vst v63  }
0x196: {  	s25 =	simm.s32 $0xA800;
	v3 =	vperm.xlane v3, v2  }
0x197: {  	[tilespmem:s25], [sflag:$0x3] =	stream.indirect_vreg.gather [hbm4b:s5+s3], $0x80, v4, vm0, $0xb8;
	[tilespmem:$0x1A000] =	vst v63  }
0x198: {  	s26 =	simm.s32 $0xB000;
	v3 =	vadd.s32 v1, v3  }
0x199: {  	[tilespmem:s26], [sflag:$0x3] =	stream.indirect_vreg.gather [hbm4b:s6+s3], $0x80, v4, vm0, $0xb8;
	[tilespmem:$0x1A000] =	vst v63  }
0x19a: {  	s11 =	simm.s32 $0xB800  }
0x19b: {  	[tilespmem:s11], [sflag:$0x3] =	stream.indirect_vreg.gather [hbm4b:s8+s3], $0x80, v4, vm0, $0xb8;
	[tilespmem:$0x1A000] =	vst v63  }
0x19c: {  	s20 =	simm.s32 $0xC000  }
0x19d: {  	[tilespmem:s20], [sflag:$0x3] =	stream.indirect_vreg.gather [hbm4b:s1+s3], $0x80, v3, vm0, $0xb8;
	[tilespmem:$0x1A000] =	vst v63  }
0x19e: {  	s24 =	simm.s32 $0xC800  }
0x19f: {  	[tilespmem:s24], [sflag:$0x3] =	stream.indirect_vreg.gather [hbm4b:s5+s3], $0x80, v3, vm0, $0xb8;
	[tilespmem:$0x1A000] =	vst v63  }
0x1a0: {  	s25 =	simm.s32 $0xD000  }
0x1a1: {  	[tilespmem:s25], [sflag:$0x3] =	stream.indirect_vreg.gather [hbm4b:s6+s3], $0x80, v3, vm0, $0xb8;
	[tilespmem:$0x1A000] =	vst v63  }
0x1a2: {  	s26 =	simm.s32 $0xD800  }
0x1a3: {  	[tilespmem:s26], [sflag:$0x3] =	stream.indirect_vreg.gather [hbm4b:s8+s3], $0x80, v3, vm0, $0xb8;
	[tilespmem:$0x1A000] =	vst v63  }
0x1a4: {  	_ =	swait.ge [sflag:s21], $0x4000  }
0x1a5: {  	[sflag:s21] =	ssyncset.done $0x0  }
0x1a6: {  	s11 =	rddreg [dreg:$0xa];
	[sflag:s21] =	ssyncadd.s32 $0xFFFFC000  }
0x1a7: {  	[hbm4b:s11+s3] =	stream.linear.scatter [tilespmem:s28], [sflag:$0xB], $0x4000, $0x38;
	[tilespmem:$0x1A000] =	vst v63  }
0x1a8: {  	_ =	swait.ge [sflag:s22], $0x4000  }
0x1a9: {  	[sflag:s22] =	ssyncset.done $0x0  }
0x1aa: {  	[sflag:s22] =	ssyncadd.s32 $0xFFFFC000  }
0x1ab: {  	v3 =	vld [tilespmem:$0x1F80];
	_ =	sdelay $0x4  }
0x1ac: {  	v63 =	vshll.u32 v3, $0x3  }
0x1ad: {  	v3 =	vand.u32 $0x7, v3;
	v4 =	vand.u32 $0xFFFFFFC0, v63  }
0x1ae: {  	v3 =	vor.u32 v3, v4  }
0x1af: {  	v4 =	vperm.xlane v3, v0;
	_ =	sdelay $0x1  }
0x1b0: {  	v4 =	vadd.s32 v1, v4;
	_ =	sdelay $0x4  }
0x1b1: {  	[tilespmem:s7], [sflag:$0x4] =	stream.indirect_vreg.gather [hbm4b:s1+s3], $0x80, v4, vm0, $0xb8;
	[tilespmem:$0x1A000] =	vst v63  }
0x1b2: {  	s20 =	simm.s32 $0xE800;
	v3 =	vperm.xlane v3, v2  }
0x1b3: {  	[tilespmem:s20], [sflag:$0x4] =	stream.indirect_vreg.gather [hbm4b:s5+s3], $0x80, v4, vm0, $0xb8;
	[tilespmem:$0x1A000] =	vst v63  }
0x1b4: {  	s24 =	simm.s32 $0xF000;
	v3 =	vadd.s32 v1, v3  }
0x1b5: {  	[tilespmem:s24], [sflag:$0x4] =	stream.indirect_vreg.gather [hbm4b:s6+s3], $0x80, v4, vm0, $0xb8;
	[tilespmem:$0x1A000] =	vst v63  }
0x1b6: {  	s25 =	simm.s32 $0xF800  }
0x1b7: {  	[tilespmem:s25], [sflag:$0x4] =	stream.indirect_vreg.gather [hbm4b:s8+s3], $0x80, v4, vm0, $0xb8;
	[tilespmem:$0x1A000] =	vst v63  }
0x1b8: {  	s26 =	simm.s32 $0x10000  }
0x1b9: {  	[tilespmem:s26], [sflag:$0x4] =	stream.indirect_vreg.gather [hbm4b:s1+s3], $0x80, v3, vm0, $0xb8;
	[tilespmem:$0x1A000] =	vst v63  }
0x1ba: {  	s11 =	simm.s32 $0x10800  }
0x1bb: {  	[tilespmem:s11], [sflag:$0x4] =	stream.indirect_vreg.gather [hbm4b:s5+s3], $0x80, v3, vm0, $0xb8;
	[tilespmem:$0x1A000] =	vst v63  }
0x1bc: {  	s20 =	simm.s32 $0x11000  }
0x1bd: {  	[tilespmem:s20], [sflag:$0x4] =	stream.indirect_vreg.gather [hbm4b:s6+s3], $0x80, v3, vm0, $0xb8;
	[tilespmem:$0x1A000] =	vst v63  }
0x1be: {  	s24 =	simm.s32 $0x11800  }
0x1bf: {  	[tilespmem:s24], [sflag:$0x4] =	stream.indirect_vreg.gather [hbm4b:s8+s3], $0x80, v3, vm0, $0xb8;
	[tilespmem:$0x1A000] =	vst v63  }
0x1c0: {  	_ =	swait.ge [sflag:s13], $0x4000  }
0x1c1: {  	[sflag:s13] =	ssyncset.done $0x0  }
0x1c2: {  	s25 =	rddreg [dreg:$0xb];
	[sflag:s13] =	ssyncadd.s32 $0xFFFFC000  }
0x1c3: {  	[hbm4b:s25+s3] =	stream.linear.scatter [tilespmem:s12], [sflag:$0xC], $0x4000, $0x38;
	[tilespmem:$0x1A000] =	vst v63  }
0x1c4: {  	_ =	swait.ge [sflag:s23], $0x4000  }
0x1c5: {  	[sflag:s23] =	ssyncset.done $0x0  }
0x1c6: {  	[sflag:s23] =	ssyncadd.s32 $0xFFFFC000  }
0x1c7: {  	_ =	swait.ge [sflag:s0], $0x4000  }
0x1c8: {  	[sflag:s0] =	ssyncset.done $0x0  }
0x1c9: {  	s26 =	rddreg [dreg:$0xc];
	[sflag:s0] =	ssyncadd.s32 $0xFFFFC000  }
0x1ca: {  	[hbm4b:s26+s3] =	stream.linear.scatter [tilespmem:s2], [sflag:$0x7], $0x4000, $0x38;
	[tilespmem:$0x1A000] =	vst v63  }
0x1cb: {  	_ =	swait.ge [sflag:s30], $0x4000  }
0x1cc: {  	[sflag:s30] =	ssyncset.done $0x0  }
0x1cd: {  	[sflag:s30] =	ssyncadd.s32 $0xFFFFC000  }
0x1ce: {  	_ =	swait.ge [sflag:s17], $0x4000  }
0x1cf: {  	[sflag:s17] =	ssyncset.done $0x0  }
0x1d0: {  	s11 =	rddreg [dreg:$0xd];
	[sflag:s17] =	ssyncadd.s32 $0xFFFFC000  }
0x1d1: {  	[hbm4b:s11+s3] =	stream.linear.scatter [tilespmem:s15], [sflag:$0x8], $0x4000, $0x38;
	[tilespmem:$0x1A000] =	vst v63  }
0x1d2: {  	_ =	swait.ge [sflag:s4], $0x4000  }
0x1d3: {  	[sflag:s4] =	ssyncset.done $0x0  }
0x1d4: {  	[sflag:s4] =	ssyncadd.s32 $0xFFFFC000  }
0x1d5: {  	_ =	swait.ge [sflag:s18], $0x4000  }
0x1d6: {  	[sflag:s18] =	ssyncset.done $0x0  }
0x1d7: {  	s15 =	rddreg [dreg:$0xe];
	[sflag:s18] =	ssyncadd.s32 $0xFFFFC000  }
0x1d8: {  	[hbm4b:s15+s3] =	stream.linear.scatter [tilespmem:s16], [sflag:$0x9], $0x4000, $0x38;
	[tilespmem:$0x1A000] =	vst v63  }
0x1d9: {  	_ =	swait.ge [sflag:s9], $0x4000  }
0x1da: {  	[sflag:s9] =	ssyncset.done $0x0  }
0x1db: {  	[sflag:s9] =	ssyncadd.s32 $0xFFFFC000  }
0x1dc: {  	_ =	swait.ge [sflag:s10], $0x4000  }
0x1dd: {  	[sflag:s10] =	ssyncset.done $0x0  }
0x1de: {  	s20 =	rddreg [dreg:$0xf];
	[sflag:s10] =	ssyncadd.s32 $0xFFFFC000  }
0x1df: {  	[hbm4b:s20+s3] =	stream.linear.scatter [tilespmem:s7], [sflag:$0xA], $0x4000, $0x38;
	[tilespmem:$0x1A000] =	vst v63  }
0x1e0: {  	_ =	swait.ge [sflag:s19], $0x4000  }
0x1e1: {  	[sflag:s19] =	ssyncset.done $0x0  }
0x1e2: {  	[sflag:s19] =	ssyncadd.s32 $0xFFFFC000  }
0x1e3: {  	_ =	swait.ge [sflag:s22], $0x4000  }
0x1e4: {  	s25 =	rddreg [dreg:$0x11]  }
0x1e5: {  	s24 =	rddreg [dreg:$0x10];
	s25 =	sadd.s32 $0x1, s25  }
0x1e6: {  	p0 =	sne.s32 s25, s24  }
.Ltmp1:
0x1e7: {  	_ = 	snop;
	(pc) =	sbr.rel @p0 .LBB2_1-.Ltmp1, $4  }
0x1e8: {  	s29 =	simm.s32 $0xE000;
	s26 =	simm.s32 $0x6000  }
0x1e9: {  	s2 =	simm.s32 $0x14000;
	s11 =	simm.s32 $0xA000;
	s15 =	simm.s32 $0x13800  }
0x1ea: {  	s16 =	simm.s32 $0x14800;
	s20 =	simm.s32 $0x15000;
	[sflag:s22] =	ssyncset.done $0x0  }
0x1eb: {  	s7 =	simm.s32 $0x15800;
	[sflag:s22] =	ssyncadd.s32 $0xFFFFC000;
	s24 =	simm.s32 $0x13000  }
0x1ec: {  	_ =	sfence.sel $0x180000  }
0x1ed: {  	[bflag:$0x0] =	sbarrier.arrive $0xFFFF  }
0x1ee: {  	_ =	strace $0x90000047  }
0x1ef: {  	s0 =	stileid.u32;
	[bflag:$0x2] =	sbarrier.arrive $0xFFFF  }
0x1f0: {  	p0 =	sne.s32 s0, $0x0;
	s0 =	rddreg [dreg:$0x3]  }
0x1f1: {  	s0 =	sadd.s32 @!p0 $0x100000, s0  }
0x1f2: {  	[sflag:s0] =	ssyncadd.tile.s32 @!p0 $0x1;
	_ =	shalt  }
.Lfunc_end2:
_tile_overlayer_lowered:
.L_overlay_start_2:
0x1f3: {  	(tag) =	ssettag $0x2  }
0x1f4: {  	s0 =	rddreg [dreg:$0x0];
	s2 =	stileid.u32  }
0x1f5: {  	s1 =	rddreg [dreg:$0x1];
	p0 =	sne.s32 s2, $0x0  }
0x1f6: {  	s3 =	rddreg [dreg:$0x2];
	[bflag:$0x3] =	sbarrier.arrive $0xFFFF;
	s2 =	simm.s32 @!p0 $0x1C0D  }
0x1f7: {  	[timem:s3], [sflag:s2] =	dma.local @!p0 [hbm:s0], s1  }
0x1f8: {  	s0 =	simm.s32 @!p0 $0xD  }
0x1f9: {  	_ =	swait.ge @!p0 [sflag:s0], s1  }
0x1fa: {  	s1 =	ssub.s32 @!p0 $0x0, s1;
	[sflag:s0] =	ssyncset.done @!p0 $0x0  }
0x1fb: {  	[sflag:s0] =	ssyncadd.s32 @!p0 s1  }
0x1fc: {  	[bflag:$0x3] =	sbarrier.arrive $0xFFFF  }
0x1fd: {  	_ =	shalt  }

</sc_bundles>
